<compile_context>
chip_gen: v7x
topology: tpu7x:2x2x1
jax: 0.10.2.dev20260603
libtpu: 0.0.44.dev20260713+nightly
codegen_flags: <defaults>
</compile_context>

<pallas_src>
import jax
import jax.numpy as jnp
from jax import lax
from jax.experimental import pallas as pl
from jax.experimental.pallas import tpu as pltpu
from jax.experimental.pallas import tpu_sc as plsc

N = 10000
E = 160000
D = 256
NC, NS = 2, 16
NW = NC * NS
EPW = E // NW
CH = 112
NFULL = EPW // CH
TAIL = EPW - NFULL * CH
CPW = N // NW
CREM = N - CPW * NW


def _avg_rows(dst, src, nrows):
  @pl.loop(0, nrows)
  def _row(r):
    for j in range(D // 16):
      sl = pl.ds(j * 16, 16)
      dst[r, sl] = (dst[r, sl] + src[r, sl]) * 0.5


def _body(table, idx0, idx1, out,
          idxv0, idxv1, r0a, r1a, r0b, r1b, gsa, gsb, ssa, ssb, csem):
  wid = lax.axis_index("s") * NC + lax.axis_index("c")
  base = wid * EPW

  cb = wid * CPW
  cpy = pltpu.async_copy(table.at[pl.ds(cb, CPW)], out.at[pl.ds(cb, CPW)], csem)

  pltpu.sync_copy(idx0.at[pl.ds(base, EPW)], idxv0)
  pltpu.sync_copy(idx1.at[pl.ds(base, EPW)], idxv1)

  rows0 = (r0a, r0b)
  rows1 = (r1a, r1b)
  gs = (gsa, gsb)
  ss = (ssa, ssb)

  pltpu.async_copy(table.at[idxv0.at[pl.ds(0, CH)]], r0a, gsa)
  pltpu.async_copy(table.at[idxv1.at[pl.ds(0, CH)]], r1a, gsa)

  @pl.loop(0, NFULL, step=2)
  def _super(i):
    for b in range(2):
      c = i + b

      pltpu.make_async_copy(table.at[pl.ds(0, CH)], rows0[b], gs[b]).wait()
      pltpu.make_async_copy(table.at[pl.ds(0, CH)], rows1[b], gs[b]).wait()

      @pl.when(c >= 1)
      def _wait_store():
        pltpu.make_async_copy(rows0[1 - b], out.at[pl.ds(N, CH)],
                              ss[1 - b]).wait()

      @pl.when(c + 1 < NFULL)
      def _next_gather():
        off = (c + 1) * CH
        pltpu.async_copy(table.at[idxv0.at[pl.ds(off, CH)]], rows0[1 - b],
                         gs[1 - b])
        pltpu.async_copy(table.at[idxv1.at[pl.ds(off, CH)]], rows1[1 - b],
                         gs[1 - b])

      _avg_rows(rows0[b], rows1[b], CH)
      pltpu.async_copy(rows0[b], out.at[pl.ds(N + base + c * CH, CH)], ss[b])

  toff = NFULL * CH
  t0 = pltpu.async_copy(table.at[idxv0.at[pl.ds(toff, TAIL)]],
                        r0a.at[pl.ds(0, TAIL)], gsa)
  t1 = pltpu.async_copy(table.at[idxv1.at[pl.ds(toff, TAIL)]],
                        r1a.at[pl.ds(0, TAIL)], gsa)
  pltpu.make_async_copy(r0b, out.at[pl.ds(N, CH)], ssb).wait()
  t0.wait()
  t1.wait()
  _avg_rows(r0a, r1a, TAIL)
  pltpu.sync_copy(r0a.at[pl.ds(0, TAIL)], out.at[pl.ds(N + base + toff, TAIL)])

  @pl.when(wid < CREM)
  def _rem():
    pltpu.sync_copy(table.at[pl.ds(CPW * NW + wid, 1)],
                    out.at[pl.ds(CPW * NW + wid, 1)])

  cpy.wait()


_mesh = plsc.VectorSubcoreMesh(core_axis_name="c", subcore_axis_name="s")

_k = pl.kernel(
    _body,
    out_type=jax.ShapeDtypeStruct((N + E, D), jnp.float32),
    mesh=_mesh,
    scratch_types=[
        pltpu.VMEM((EPW,), jnp.int32),
        pltpu.VMEM((EPW,), jnp.int32),
        pltpu.VMEM((CH, D), jnp.float32),
        pltpu.VMEM((CH, D), jnp.float32),
        pltpu.VMEM((CH, D), jnp.float32),
        pltpu.VMEM((CH, D), jnp.float32),
        pltpu.SemaphoreType.DMA,
        pltpu.SemaphoreType.DMA,
        pltpu.SemaphoreType.DMA,
        pltpu.SemaphoreType.DMA,
        pltpu.SemaphoreType.DMA,
    ],
)


@jax.jit
def kernel(inputs, unpool_idx):
  table = inputs[0]
  idx = unpool_idx.astype(jnp.int32)
  out = _k(table, idx[:, 0], idx[:, 1])
  return out[None]

# --- scband reference (transcript-rebuilt; emitter-appended) ---
"""Pipeline reference for scband-gunpooling-84439057039764 (READ-ONLY COPY).

The authoritative reference and input builder live on the scoring server;
editing this copy changes nothing except your own understanding.
"""

import jax, jax.numpy as jnp
import numpy as np

def setup_inputs(seed: int = 0) -> dict:
    key = jax.random.key(seed)
    k1, k2 = jax.random.split(key)
    inputs = jax.random.normal(k1, (1, 10000, 256), dtype=jnp.float32)
    unpool_idx = jax.random.randint(k2, (160000, 2), 0, 10000, dtype=jnp.int64)
    return {"inputs": inputs, "unpool_idx": unpool_idx}

def reference(inputs, unpool_idx):
    # Gather the two endpoint features of each edge: [B, E, 2, d]
    new_features = inputs[:, unpool_idx]
    # Midpoint of each edge = average of the two endpoint features: [B, E, d]
    new_vertices = 0.5 * new_features.sum(axis=2)
    # Append new (midpoint) vertices after the original ones: [B, N+E, d]
    output = jnp.concatenate([inputs, new_vertices], axis=1)
    return output

if __name__ == "__main__":
    import jax
    _d = setup_inputs()
    print(jax.jit(kernel)(*tuple(_d.values())))

</pallas_src>

<mosaic_0001>
#map = affine_map<(d0, d1) -> (0, 0)>
#map1 = affine_map<(d0, d1) -> (0)>
module attributes {stable_mosaic.version = 14 : i64} {
  func.func @_body(%arg0: i32, %arg1: i32, %arg2: memref<10000x256xf32, #tpu.memory_space<hbm>>, %arg3: memref<160000xi32, #tpu.memory_space<hbm>>, %arg4: memref<160000xi32, #tpu.memory_space<hbm>>, %arg5: memref<170000x256xf32, #tpu.memory_space<hbm>>, %arg6: memref<5000xi32, #tpu.memory_space<vmem>>, %arg7: memref<5000xi32, #tpu.memory_space<vmem>>, %arg8: memref<112x256xf32, #tpu.memory_space<vmem>>, %arg9: memref<112x256xf32, #tpu.memory_space<vmem>>, %arg10: memref<112x256xf32, #tpu.memory_space<vmem>>, %arg11: memref<112x256xf32, #tpu.memory_space<vmem>>, %arg12: memref<!tpu.dma_semaphore, #tpu.memory_space<semaphore_mem>>, %arg13: memref<!tpu.dma_semaphore, #tpu.memory_space<semaphore_mem>>, %arg14: memref<!tpu.dma_semaphore, #tpu.memory_space<semaphore_mem>>, %arg15: memref<!tpu.dma_semaphore, #tpu.memory_space<semaphore_mem>>, %arg16: memref<!tpu.dma_semaphore, #tpu.memory_space<semaphore_mem>>) attributes {dimension_semantics = [#tpu.dimension_semantics<core_parallel>, #tpu.dimension_semantics<subcore_parallel>], iteration_bounds = array<i64: 2, 16>, scalar_prefetch = 0 : i64, scratch_operands = 11 : i64, tpu.core_type = #tpu.core_type<sc_vector_subcore>, window_params = [{transform_indices = #map}, {transform_indices = #map1}, {transform_indices = #map1}, {transform_indices = #map}]} {
    %mul3A = arith.constant 2 : i32
    %mul3A_0 = arith.muli %arg1, %mul3A : i32
    %add3A = arith.addi %mul3A_0, %arg0 : i32
    %mul3A_1 = arith.constant 5000 : i32
    %mul3A_2 = arith.muli %add3A, %mul3A_1 : i32
    %mul3A_3 = arith.constant 312 : i32
    %mul3A_4 = arith.muli %add3A, %mul3A_3 : i32
    %dma_start3A = arith.constant 0 : i32
    %dma_start3A_5 = tpu.memref_slice %arg5[%mul3A_4, %dma_start3A] : memref<170000x256xf32, #tpu.memory_space<hbm>> -> memref<312x256xf32, #tpu.memory_space<hbm>>
    %dma_start3A_6 = arith.constant 0 : i32
    %dma_start3A_7 = tpu.memref_slice %arg2[%mul3A_4, %dma_start3A_6] : memref<10000x256xf32, #tpu.memory_space<hbm>> -> memref<312x256xf32, #tpu.memory_space<hbm>>
    tpu.enqueue_dma source(%dma_start3A_7 : memref<312x256xf32, #tpu.memory_space<hbm>>) target(%dma_start3A_5 : memref<312x256xf32, #tpu.memory_space<hbm>>) target_semaphore(%arg16 : memref<!tpu.dma_semaphore, #tpu.memory_space<semaphore_mem>>)
    "tpu.region"() ({
      %run_scoped3A = tpu.sem_alloc : memref<!tpu.dma_semaphore, #tpu.memory_space<semaphore_mem>>
      %dma_start3A_74 = tpu.memref_slice %arg3[%mul3A_2] : memref<160000xi32, #tpu.memory_space<hbm>> -> memref<5000xi32, #tpu.memory_space<hbm>>
      %dma_start3A_75 = tpu.memref_slice %arg3[%mul3A_2] : memref<160000xi32, #tpu.memory_space<hbm>> -> memref<5000xi32, #tpu.memory_space<hbm>>
      tpu.enqueue_dma source(%dma_start3A_75 : memref<5000xi32, #tpu.memory_space<hbm>>) target(%arg6 : memref<5000xi32, #tpu.memory_space<vmem>>) target_semaphore(%run_scoped3A : memref<!tpu.dma_semaphore, #tpu.memory_space<semaphore_mem>>)
      %dma_wait3A_76 = tpu.memref_slice %arg3[%mul3A_2] : memref<160000xi32, #tpu.memory_space<hbm>> -> memref<5000xi32, #tpu.memory_space<hbm>>
      %dma_wait3A_77 = tpu.memref_slice %arg3[%mul3A_2] : memref<160000xi32, #tpu.memory_space<hbm>> -> memref<5000xi32, #tpu.memory_space<hbm>>
      tpu.wait_dma2 semaphore(%run_scoped3A : memref<!tpu.dma_semaphore, #tpu.memory_space<semaphore_mem>>) src(%dma_wait3A_77 : memref<5000xi32, #tpu.memory_space<hbm>>) dst(%arg6 : memref<5000xi32, #tpu.memory_space<vmem>>)
      tpu.yield
    }) : () -> ()
    "tpu.region"() ({
      %run_scoped3A = tpu.sem_alloc : memref<!tpu.dma_semaphore, #tpu.memory_space<semaphore_mem>>
      %dma_start3A_74 = tpu.memref_slice %arg4[%mul3A_2] : memref<160000xi32, #tpu.memory_space<hbm>> -> memref<5000xi32, #tpu.memory_space<hbm>>
      %dma_start3A_75 = tpu.memref_slice %arg4[%mul3A_2] : memref<160000xi32, #tpu.memory_space<hbm>> -> memref<5000xi32, #tpu.memory_space<hbm>>
      tpu.enqueue_dma source(%dma_start3A_75 : memref<5000xi32, #tpu.memory_space<hbm>>) target(%arg7 : memref<5000xi32, #tpu.memory_space<vmem>>) target_semaphore(%run_scoped3A : memref<!tpu.dma_semaphore, #tpu.memory_space<semaphore_mem>>)
      %dma_wait3A_76 = tpu.memref_slice %arg4[%mul3A_2] : memref<160000xi32, #tpu.memory_space<hbm>> -> memref<5000xi32, #tpu.memory_space<hbm>>
      %dma_wait3A_77 = tpu.memref_slice %arg4[%mul3A_2] : memref<160000xi32, #tpu.memory_space<hbm>> -> memref<5000xi32, #tpu.memory_space<hbm>>
      tpu.wait_dma2 semaphore(%run_scoped3A : memref<!tpu.dma_semaphore, #tpu.memory_space<semaphore_mem>>) src(%dma_wait3A_77 : memref<5000xi32, #tpu.memory_space<hbm>>) dst(%arg7 : memref<5000xi32, #tpu.memory_space<vmem>>)
      tpu.yield
    }) : () -> ()
    %dma_start3A_8 = arith.constant 0 : i32
    %dma_start3A_9 = tpu.memref_slice %arg6[%dma_start3A_8] : memref<5000xi32, #tpu.memory_space<vmem>> -> memref<112xi32, #tpu.memory_space<vmem>>
    %dma_start3A_10 = arith.constant 0 : i32
    %dma_start3A_11 = arith.constant 0 : i32
    %dma_start3A_12 = tpu.memref_slice %arg2[%dma_start3A_10, %dma_start3A_11] : memref<10000x256xf32, #tpu.memory_space<hbm>> -> memref<10000x256xf32, #tpu.memory_space<hbm>>
    tpu.enqueue_indirect_dma source(%dma_start3A_12 : memref<10000x256xf32, #tpu.memory_space<hbm>>) target(%arg8 : memref<112x256xf32, #tpu.memory_space<vmem>>) offsets(%dma_start3A_9 : memref<112xi32, #tpu.memory_space<vmem>>) semaphore(%arg12 : memref<!tpu.dma_semaphore, #tpu.memory_space<semaphore_mem>>)
    %dma_start3A_13 = arith.constant 0 : i32
    %dma_start3A_14 = tpu.memref_slice %arg7[%dma_start3A_13] : memref<5000xi32, #tpu.memory_space<vmem>> -> memref<112xi32, #tpu.memory_space<vmem>>
    %dma_start3A_15 = arith.constant 0 : i32
    %dma_start3A_16 = arith.constant 0 : i32
    %dma_start3A_17 = tpu.memref_slice %arg2[%dma_start3A_15, %dma_start3A_16] : memref<10000x256xf32, #tpu.memory_space<hbm>> -> memref<10000x256xf32, #tpu.memory_space<hbm>>
    tpu.enqueue_indirect_dma source(%dma_start3A_17 : memref<10000x256xf32, #tpu.memory_space<hbm>>) target(%arg9 : memref<112x256xf32, #tpu.memory_space<vmem>>) offsets(%dma_start3A_14 : memref<112xi32, #tpu.memory_space<vmem>>) semaphore(%arg12 : memref<!tpu.dma_semaphore, #tpu.memory_space<semaphore_mem>>)
    %scan3A = arith.constant 0 : i32
    %scan3A_18 = arith.constant 22 : i32
    %scan3A_19 = arith.addi %scan3A, %scan3A_18 : i32
    %scan3A_20 = arith.constant 1 : i32
    scf.for %scan3A_74 = %scan3A to %scan3A_19 step %scan3A_20  : i32 {
      %mul3A_75 = arith.constant 2 : i32
      %mul3A_76 = arith.muli %scan3A_74, %mul3A_75 : i32
      %add3A_77 = arith.constant 0 : i32
      %add3A_78 = arith.addi %add3A_77, %mul3A_76 : i32
      %add3A_79 = arith.constant 0 : i32
      %add3A_80 = arith.addi %add3A_78, %add3A_79 : i32
      %dma_wait3A_81 = arith.constant 0 : i32
      %dma_wait3A_82 = arith.constant 0 : i32
      %dma_wait3A_83 = tpu.memref_slice %arg2[%dma_wait3A_81, %dma_wait3A_82] : memref<10000x256xf32, #tpu.memory_space<hbm>> -> memref<112x256xf32, #tpu.memory_space<hbm>>
      %dma_wait3A_84 = arith.constant 0 : i32
      %dma_wait3A_85 = arith.constant 0 : i32
      %dma_wait3A_86 = tpu.memref_slice %arg2[%dma_wait3A_84, %dma_wait3A_85] : memref<10000x256xf32, #tpu.memory_space<hbm>> -> memref<112x256xf32, #tpu.memory_space<hbm>>
      tpu.wait_dma2 semaphore(%arg12 : memref<!tpu.dma_semaphore, #tpu.memory_space<semaphore_mem>>) src(%dma_wait3A_86 : memref<112x256xf32, #tpu.memory_space<hbm>>) dst(%arg8 : memref<112x256xf32, #tpu.memory_space<vmem>>)
      %dma_wait3A_87 = arith.constant 0 : i32
      %dma_wait3A_88 = arith.constant 0 : i32
      %dma_wait3A_89 = tpu.memref_slice %arg2[%dma_wait3A_87, %dma_wait3A_88] : memref<10000x256xf32, #tpu.memory_space<hbm>> -> memref<112x256xf32, #tpu.memory_space<hbm>>
      %dma_wait3A_90 = arith.constant 0 : i32
      %dma_wait3A_91 = arith.constant 0 : i32
      %dma_wait3A_92 = tpu.memref_slice %arg2[%dma_wait3A_90, %dma_wait3A_91] : memref<10000x256xf32, #tpu.memory_space<hbm>> -> memref<112x256xf32, #tpu.memory_space<hbm>>
      tpu.wait_dma2 semaphore(%arg12 : memref<!tpu.dma_semaphore, #tpu.memory_space<semaphore_mem>>) src(%dma_wait3A_92 : memref<112x256xf32, #tpu.memory_space<hbm>>) dst(%arg9 : memref<112x256xf32, #tpu.memory_space<vmem>>)
      %ge3A = arith.constant 1 : i32
      %ge3A_93 = arith.cmpi sge, %add3A_80, %ge3A : i32
      %convert_element_type3A_94 = arith.extui %ge3A_93 : i1 to i32
      %cond3A_95 = arith.constant 0 : i32
      %cond3A_96 = arith.cmpi ne, %convert_element_type3A_94, %cond3A_95 : i32
      scf.if %cond3A_96 {
        %dma_wait3A_158 = arith.constant 10000 : i32
        %dma_wait3A_159 = arith.constant 0 : i32
        %dma_wait3A_160 = tpu.memref_slice %arg5[%dma_wait3A_158, %dma_wait3A_159] : memref<170000x256xf32, #tpu.memory_space<hbm>> -> memref<112x256xf32, #tpu.memory_space<hbm>>
        %dma_wait3A_161 = arith.constant 10000 : i32
        %dma_wait3A_162 = arith.constant 0 : i32
        %dma_wait3A_163 = tpu.memref_slice %arg5[%dma_wait3A_161, %dma_wait3A_162] : memref<170000x256xf32, #tpu.memory_space<hbm>> -> memref<112x256xf32, #tpu.memory_space<hbm>>
        tpu.wait_dma2 semaphore(%arg15 : memref<!tpu.dma_semaphore, #tpu.memory_space<semaphore_mem>>) src(%arg10 : memref<112x256xf32, #tpu.memory_space<vmem>>) dst(%dma_wait3A_163 : memref<112x256xf32, #tpu.memory_space<hbm>>)
      } else {
      }
      %add3A_97 = arith.constant 1 : i32
      %add3A_98 = arith.addi %add3A_80, %add3A_97 : i32
      %lt3A_99 = arith.constant 44 : i32
      %lt3A_100 = arith.cmpi slt, %add3A_98, %lt3A_99 : i32
      %convert_element_type3A_101 = arith.extui %lt3A_100 : i1 to i32
      %cond3A_102 = arith.constant 0 : i32
      %cond3A_103 = arith.cmpi ne, %convert_element_type3A_101, %cond3A_102 : i32
      scf.if %cond3A_103 {
        %add3A_158 = arith.constant 1 : i32
        %add3A_159 = arith.addi %add3A_80, %add3A_158 : i32
        %mul3A_160 = arith.constant 112 : i32
        %mul3A_161 = arith.muli %add3A_159, %mul3A_160 : i32
        %dma_start3A_162 = tpu.memref_slice %arg6[%mul3A_161] : memref<5000xi32, #tpu.memory_space<vmem>> -> memref<112xi32, #tpu.memory_space<vmem>>
        %dma_start3A_163 = arith.constant 0 : i32
        %dma_start3A_164 = arith.constant 0 : i32
        %dma_start3A_165 = tpu.memref_slice %arg2[%dma_start3A_163, %dma_start3A_164] : memref<10000x256xf32, #tpu.memory_space<hbm>> -> memref<10000x256xf32, #tpu.memory_space<hbm>>
        tpu.enqueue_indirect_dma source(%dma_start3A_165 : memref<10000x256xf32, #tpu.memory_space<hbm>>) target(%arg10 : memref<112x256xf32, #tpu.memory_space<vmem>>) offsets(%dma_start3A_162 : memref<112xi32, #tpu.memory_space<vmem>>) semaphore(%arg13 : memref<!tpu.dma_semaphore, #tpu.memory_space<semaphore_mem>>)
        %dma_start3A_166 = tpu.memref_slice %arg7[%mul3A_161] : memref<5000xi32, #tpu.memory_space<vmem>> -> memref<112xi32, #tpu.memory_space<vmem>>
        %dma_start3A_167 = arith.constant 0 : i32
        %dma_start3A_168 = arith.constant 0 : i32
        %dma_start3A_169 = tpu.memref_slice %arg2[%dma_start3A_167, %dma_start3A_168] : memref<10000x256xf32, #tpu.memory_space<hbm>> -> memref<10000x256xf32, #tpu.memory_space<hbm>>
        tpu.enqueue_indirect_dma source(%dma_start3A_169 : memref<10000x256xf32, #tpu.memory_space<hbm>>) target(%arg11 : memref<112x256xf32, #tpu.memory_space<vmem>>) offsets(%dma_start3A_166 : memref<112xi32, #tpu.memory_space<vmem>>) semaphore(%arg13 : memref<!tpu.dma_semaphore, #tpu.memory_space<semaphore_mem>>)
      } else {
      }
      %scan3A_104 = arith.constant 0 : i32
      %scan3A_105 = arith.constant 112 : i32
      %scan3A_106 = arith.addi %scan3A_104, %scan3A_105 : i32
      %scan3A_107 = arith.constant 1 : i32
      scf.for %scan3A_158 = %scan3A_104 to %scan3A_106 step %scan3A_107  : i32 {
        %mul3A_159 = arith.constant 1 : i32
        %mul3A_160 = arith.muli %scan3A_158, %mul3A_159 : i32
        %add3A_161 = arith.constant 0 : i32
        %add3A_162 = arith.addi %add3A_161, %mul3A_160 : i32
        %get3A = arith.index_cast %add3A_162 : i32 to index
        %get3A_163 = arith.constant 0 : index
        %get3A_164 = tpu.vector_load %arg8[%get3A, %get3A_163] {strides = array<i32>} : memref<112x256xf32, #tpu.memory_space<vmem>>, vector<1x16xf32>,
        %get3A_165 = vector.shape_cast %get3A_164 : vector<1x16xf32> to vector<16xf32>
        %get3A_166 = arith.index_cast %add3A_162 : i32 to index
        %get3A_167 = arith.constant 0 : index
        %get3A_168 = tpu.vector_load %arg9[%get3A_166, %get3A_167] {strides = array<i32>} : memref<112x256xf32, #tpu.memory_space<vmem>>, vector<1x16xf32>,
        %get3A_169 = vector.shape_cast %get3A_168 : vector<1x16xf32> to vector<16xf32>
        %add3A_170 = arith.addf %get3A_165, %get3A_169 : vector<16xf32>
        %mul3A_171 = arith.constant 5.000000e-01 : f32
        %mul3A_172 = vector.broadcast %mul3A_171 : f32 to vector<16xf32>
        %mul3A_173 = arith.mulf %add3A_170, %mul3A_172 : vector<16xf32>
        %swap3A = arith.index_cast %add3A_162 : i32 to index
        %swap3A_174 = arith.constant 0 : index
        %swap3A_175 = tpu.vector_load %arg8[%swap3A, %swap3A_174] {strides = array<i32>} : memref<112x256xf32, #tpu.memory_space<vmem>>, vector<1x16xf32>,
        %swap3A_176 = vector.shape_cast %swap3A_175 : vector<1x16xf32> to vector<16xf32>
        %swap3A_177 = vector.shape_cast %mul3A_173 : vector<16xf32> to vector<1x16xf32>
        tpu.vector_store %arg8[%swap3A, %swap3A_174], %swap3A_177 {strides = array<i32>} : memref<112x256xf32, #tpu.memory_space<vmem>>, vector<1x16xf32>,
        %get3A_178 = arith.index_cast %add3A_162 : i32 to index
        %get3A_179 = arith.constant 16 : index
        %get3A_180 = tpu.vector_load %arg8[%get3A_178, %get3A_179] {strides = array<i32>} : memref<112x256xf32, #tpu.memory_space<vmem>>, vector<1x16xf32>,
        %get3A_181 = vector.shape_cast %get3A_180 : vector<1x16xf32> to vector<16xf32>
        %get3A_182 = arith.index_cast %add3A_162 : i32 to index
        %get3A_183 = arith.constant 16 : index
        %get3A_184 = tpu.vector_load %arg9[%get3A_182, %get3A_183] {strides = array<i32>} : memref<112x256xf32, #tpu.memory_space<vmem>>, vector<1x16xf32>,
        %get3A_185 = vector.shape_cast %get3A_184 : vector<1x16xf32> to vector<16xf32>
        %add3A_186 = arith.addf %get3A_181, %get3A_185 : vector<16xf32>
        %mul3A_187 = arith.constant 5.000000e-01 : f32
        %mul3A_188 = vector.broadcast %mul3A_187 : f32 to vector<16xf32>
        %mul3A_189 = arith.mulf %add3A_186, %mul3A_188 : vector<16xf32>
        %swap3A_190 = arith.index_cast %add3A_162 : i32 to index
        %swap3A_191 = arith.constant 16 : index
        %swap3A_192 = tpu.vector_load %arg8[%swap3A_190, %swap3A_191] {strides = array<i32>} : memref<112x256xf32, #tpu.memory_space<vmem>>, vector<1x16xf32>,
        %swap3A_193 = vector.shape_cast %swap3A_192 : vector<1x16xf32> to vector<16xf32>
        %swap3A_194 = vector.shape_cast %mul3A_189 : vector<16xf32> to vector<1x16xf32>
        tpu.vector_store %arg8[%swap3A_190, %swap3A_191], %swap3A_194 {strides = array<i32>} : memref<112x256xf32, #tpu.memory_space<vmem>>, vector<1x16xf32>,
        %get3A_195 = arith.index_cast %add3A_162 : i32 to index
        %get3A_196 = arith.constant 32 : index
        %get3A_197 = tpu.vector_load %arg8[%get3A_195, %get3A_196] {strides = array<i32>} : memref<112x256xf32, #tpu.memory_space<vmem>>, vector<1x16xf32>,
        %get3A_198 = vector.shape_cast %get3A_197 : vector<1x16xf32> to vector<16xf32>
        %get3A_199 = arith.index_cast %add3A_162 : i32 to index
        %get3A_200 = arith.constant 32 : index
        %get3A_201 = tpu.vector_load %arg9[%get3A_199, %get3A_200] {strides = array<i32>} : memref<112x256xf32, #tpu.memory_space<vmem>>, vector<1x16xf32>,
        %get3A_202 = vector.shape_cast %get3A_201 : vector<1x16xf32> to vector<16xf32>
        %add3A_203 = arith.addf %get3A_198, %get3A_202 : vector<16xf32>
        %mul3A_204 = arith.constant 5.000000e-01 : f32
        %mul3A_205 = vector.broadcast %mul3A_204 : f32 to vector<16xf32>
        %mul3A_206 = arith.mulf %add3A_203, %mul3A_205 : vector<16xf32>
        %swap3A_207 = arith.index_cast %add3A_162 : i32 to index
        %swap3A_208 = arith.constant 32 : index
        %swap3A_209 = tpu.vector_load %arg8[%swap3A_207, %swap3A_208] {strides = array<i32>} : memref<112x256xf32, #tpu.memory_space<vmem>>, vector<1x16xf32>,
        %swap3A_210 = vector.shape_cast %swap3A_209 : vector<1x16xf32> to vector<16xf32>
        %swap3A_211 = vector.shape_cast %mul3A_206 : vector<16xf32> to vector<1x16xf32>
        tpu.vector_store %arg8[%swap3A_207, %swap3A_208], %swap3A_211 {strides = array<i32>} : memref<112x256xf32, #tpu.memory_space<vmem>>, vector<1x16xf32>,
        %get3A_212 = arith.index_cast %add3A_162 : i32 to index
        %get3A_213 = arith.constant 48 : index
        %get3A_214 = tpu.vector_load %arg8[%get3A_212, %get3A_213] {strides = array<i32>} : memref<112x256xf32, #tpu.memory_space<vmem>>, vector<1x16xf32>,
        %get3A_215 = vector.shape_cast %get3A_214 : vector<1x16xf32> to vector<16xf32>
        %get3A_216 = arith.index_cast %add3A_162 : i32 to index
        %get3A_217 = arith.constant 48 : index
        %get3A_218 = tpu.vector_load %arg9[%get3A_216, %get3A_217] {strides = array<i32>} : memref<112x256xf32, #tpu.memory_space<vmem>>, vector<1x16xf32>,
        %get3A_219 = vector.shape_cast %get3A_218 : vector<1x16xf32> to vector<16xf32>
        %add3A_220 = arith.addf %get3A_215, %get3A_219 : vector<16xf32>
        %mul3A_221 = arith.constant 5.000000e-01 : f32
        %mul3A_222 = vector.broadcast %mul3A_221 : f32 to vector<16xf32>
        %mul3A_223 = arith.mulf %add3A_220, %mul3A_222 : vector<16xf32>
        %swap3A_224 = arith.index_cast %add3A_162 : i32 to index
        %swap3A_225 = arith.constant 48 : index
        %swap3A_226 = tpu.vector_load %arg8[%swap3A_224, %swap3A_225] {strides = array<i32>} : memref<112x256xf32, #tpu.memory_space<vmem>>, vector<1x16xf32>,
        %swap3A_227 = vector.shape_cast %swap3A_226 : vector<1x16xf32> to vector<16xf32>
        %swap3A_228 = vector.shape_cast %mul3A_223 : vector<16xf32> to vector<1x16xf32>
        tpu.vector_store %arg8[%swap3A_224, %swap3A_225], %swap3A_228 {strides = array<i32>} : memref<112x256xf32, #tpu.memory_space<vmem>>, vector<1x16xf32>,
        %get3A_229 = arith.index_cast %add3A_162 : i32 to index
        %get3A_230 = arith.constant 64 : index
        %get3A_231 = tpu.vector_load %arg8[%get3A_229, %get3A_230] {strides = array<i32>} : memref<112x256xf32, #tpu.memory_space<vmem>>, vector<1x16xf32>,
        %get3A_232 = vector.shape_cast %get3A_231 : vector<1x16xf32> to vector<16xf32>
        %get3A_233 = arith.index_cast %add3A_162 : i32 to index
        %get3A_234 = arith.constant 64 : index
        %get3A_235 = tpu.vector_load %arg9[%get3A_233, %get3A_234] {strides = array<i32>} : memref<112x256xf32, #tpu.memory_space<vmem>>, vector<1x16xf32>,
        %get3A_236 = vector.shape_cast %get3A_235 : vector<1x16xf32> to vector<16xf32>
        %add3A_237 = arith.addf %get3A_232, %get3A_236 : vector<16xf32>
        %mul3A_238 = arith.constant 5.000000e-01 : f32
        %mul3A_239 = vector.broadcast %mul3A_238 : f32 to vector<16xf32>
        %mul3A_240 = arith.mulf %add3A_237, %mul3A_239 : vector<16xf32>
        %swap3A_241 = arith.index_cast %add3A_162 : i32 to index
        %swap3A_242 = arith.constant 64 : index
        %swap3A_243 = tpu.vector_load %arg8[%swap3A_241, %swap3A_242] {strides = array<i32>} : memref<112x256xf32, #tpu.memory_space<vmem>>, vector<1x16xf32>,
        %swap3A_244 = vector.shape_cast %swap3A_243 : vector<1x16xf32> to vector<16xf32>
        %swap3A_245 = vector.shape_cast %mul3A_240 : vector<16xf32> to vector<1x16xf32>
        tpu.vector_store %arg8[%swap3A_241, %swap3A_242], %swap3A_245 {strides = array<i32>} : memref<112x256xf32, #tpu.memory_space<vmem>>, vector<1x16xf32>,
        %get3A_246 = arith.index_cast %add3A_162 : i32 to index
        %get3A_247 = arith.constant 80 : index
        %get3A_248 = tpu.vector_load %arg8[%get3A_246, %get3A_247] {strides = array<i32>} : memref<112x256xf32, #tpu.memory_space<vmem>>, vector<1x16xf32>,
        %get3A_249 = vector.shape_cast %get3A_248 : vector<1x16xf32> to vector<16xf32>
        %get3A_250 = arith.index_cast %add3A_162 : i32 to index
        %get3A_251 = arith.constant 80 : index
        %get3A_252 = tpu.vector_load %arg9[%get3A_250, %get3A_251] {strides = array<i32>} : memref<112x256xf32, #tpu.memory_space<vmem>>, vector<1x16xf32>,
        %get3A_253 = vector.shape_cast %get3A_252 : vector<1x16xf32> to vector<16xf32>
        %add3A_254 = arith.addf %get3A_249, %get3A_253 : vector<16xf32>
        %mul3A_255 = arith.constant 5.000000e-01 : f32
        %mul3A_256 = vector.broadcast %mul3A_255 : f32 to vector<16xf32>
        %mul3A_257 = arith.mulf %add3A_254, %mul3A_256 : vector<16xf32>
        %swap3A_258 = arith.index_cast %add3A_162 : i32 to index
        %swap3A_259 = arith.constant 80 : index
        %swap3A_260 = tpu.vector_load %arg8[%swap3A_258, %swap3A_259] {strides = array<i32>} : memref<112x256xf32, #tpu.memory_space<vmem>>, vector<1x16xf32>,
        %swap3A_261 = vector.shape_cast %swap3A_260 : vector<1x16xf32> to vector<16xf32>
        %swap3A_262 = vector.shape_cast %mul3A_257 : vector<16xf32> to vector<1x16xf32>
        tpu.vector_store %arg8[%swap3A_258, %swap3A_259], %swap3A_262 {strides = array<i32>} : memref<112x256xf32, #tpu.memory_space<vmem>>, vector<1x16xf32>,
        %get3A_263 = arith.index_cast %add3A_162 : i32 to index
        %get3A_264 = arith.constant 96 : index
        %get3A_265 = tpu.vector_load %arg8[%get3A_263, %get3A_264] {strides = array<i32>} : memref<112x256xf32, #tpu.memory_space<vmem>>, vector<1x16xf32>,
        %get3A_266 = vector.shape_cast %get3A_265 : vector<1x16xf32> to vector<16xf32>
        %get3A_267 = arith.index_cast %add3A_162 : i32 to index
        %get3A_268 = arith.constant 96 : index
        %get3A_269 = tpu.vector_load %arg9[%get3A_267, %get3A_268] {strides = array<i32>} : memref<112x256xf32, #tpu.memory_space<vmem>>, vector<1x16xf32>,
        %get3A_270 = vector.shape_cast %get3A_269 : vector<1x16xf32> to vector<16xf32>
        %add3A_271 = arith.addf %get3A_266, %get3A_270 : vector<16xf32>
        %mul3A_272 = arith.constant 5.000000e-01 : f32
        %mul3A_273 = vector.broadcast %mul3A_272 : f32 to vector<16xf32>
        %mul3A_274 = arith.mulf %add3A_271, %mul3A_273 : vector<16xf32>
        %swap3A_275 = arith.index_cast %add3A_162 : i32 to index
        %swap3A_276 = arith.constant 96 : index
        %swap3A_277 = tpu.vector_load %arg8[%swap3A_275, %swap3A_276] {strides = array<i32>} : memref<112x256xf32, #tpu.memory_space<vmem>>, vector<1x16xf32>,
        %swap3A_278 = vector.shape_cast %swap3A_277 : vector<1x16xf32> to vector<16xf32>
        %swap3A_279 = vector.shape_cast %mul3A_274 : vector<16xf32> to vector<1x16xf32>
        tpu.vector_store %arg8[%swap3A_275, %swap3A_276], %swap3A_279 {strides = array<i32>} : memref<112x256xf32, #tpu.memory_space<vmem>>, vector<1x16xf32>,
        %get3A_280 = arith.index_cast %add3A_162 : i32 to index
        %get3A_281 = arith.constant 112 : index
        %get3A_282 = tpu.vector_load %arg8[%get3A_280, %get3A_281] {strides = array<i32>} : memref<112x256xf32, #tpu.memory_space<vmem>>, vector<1x16xf32>,
        %get3A_283 = vector.shape_cast %get3A_282 : vector<1x16xf32> to vector<16xf32>
        %get3A_284 = arith.index_cast %add3A_162 : i32 to index
        %get3A_285 = arith.constant 112 : index
        %get3A_286 = tpu.vector_load %arg9[%get3A_284, %get3A_285] {strides = array<i32>} : memref<112x256xf32, #tpu.memory_space<vmem>>, vector<1x16xf32>,
        %get3A_287 = vector.shape_cast %get3A_286 : vector<1x16xf32> to vector<16xf32>
        %add3A_288 = arith.addf %get3A_283, %get3A_287 : vector<16xf32>
        %mul3A_289 = arith.constant 5.000000e-01 : f32
        %mul3A_290 = vector.broadcast %mul3A_289 : f32 to vector<16xf32>
        %mul3A_291 = arith.mulf %add3A_288, %mul3A_290 : vector<16xf32>
        %swap3A_292 = arith.index_cast %add3A_162 : i32 to index
        %swap3A_293 = arith.constant 112 : index
        %swap3A_294 = tpu.vector_load %arg8[%swap3A_292, %swap3A_293] {strides = array<i32>} : memref<112x256xf32, #tpu.memory_space<vmem>>, vector<1x16xf32>,
        %swap3A_295 = vector.shape_cast %swap3A_294 : vector<1x16xf32> to vector<16xf32>
        %swap3A_296 = vector.shape_cast %mul3A_291 : vector<16xf32> to vector<1x16xf32>
        tpu.vector_store %arg8[%swap3A_292, %swap3A_293], %swap3A_296 {strides = array<i32>} : memref<112x256xf32, #tpu.memory_space<vmem>>, vector<1x16xf32>,
        %get3A_297 = arith.index_cast %add3A_162 : i32 to index
        %get3A_298 = arith.constant 128 : index
        %get3A_299 = tpu.vector_load %arg8[%get3A_297, %get3A_298] {strides = array<i32>} : memref<112x256xf32, #tpu.memory_space<vmem>>, vector<1x16xf32>,
        %get3A_300 = vector.shape_cast %get3A_299 : vector<1x16xf32> to vector<16xf32>
        %get3A_301 = arith.index_cast %add3A_162 : i32 to index
        %get3A_302 = arith.constant 128 : index
        %get3A_303 = tpu.vector_load %arg9[%get3A_301, %get3A_302] {strides = array<i32>} : memref<112x256xf32, #tpu.memory_space<vmem>>, vector<1x16xf32>,
        %get3A_304 = vector.shape_cast %get3A_303 : vector<1x16xf32> to vector<16xf32>
        %add3A_305 = arith.addf %get3A_300, %get3A_304 : vector<16xf32>
        %mul3A_306 = arith.constant 5.000000e-01 : f32
        %mul3A_307 = vector.broadcast %mul3A_306 : f32 to vector<16xf32>
        %mul3A_308 = arith.mulf %add3A_305, %mul3A_307 : vector<16xf32>
        %swap3A_309 = arith.index_cast %add3A_162 : i32 to index
        %swap3A_310 = arith.constant 128 : index
        %swap3A_311 = tpu.vector_load %arg8[%swap3A_309, %swap3A_310] {strides = array<i32>} : memref<112x256xf32, #tpu.memory_space<vmem>>, vector<1x16xf32>,
        %swap3A_312 = vector.shape_cast %swap3A_311 : vector<1x16xf32> to vector<16xf32>
        %swap3A_313 = vector.shape_cast %mul3A_308 : vector<16xf32> to vector<1x16xf32>
        tpu.vector_store %arg8[%swap3A_309, %swap3A_310], %swap3A_313 {strides = array<i32>} : memref<112x256xf32, #tpu.memory_space<vmem>>, vector<1x16xf32>,
        %get3A_314 = arith.index_cast %add3A_162 : i32 to index
        %get3A_315 = arith.constant 144 : index
        %get3A_316 = tpu.vector_load %arg8[%get3A_314, %get3A_315] {strides = array<i32>} : memref<112x256xf32, #tpu.memory_space<vmem>>, vector<1x16xf32>,
        %get3A_317 = vector.shape_cast %get3A_316 : vector<1x16xf32> to vector<16xf32>
        %get3A_318 = arith.index_cast %add3A_162 : i32 to index
        %get3A_319 = arith.constant 144 : index
        %get3A_320 = tpu.vector_load %arg9[%get3A_318, %get3A_319] {strides = array<i32>} : memref<112x256xf32, #tpu.memory_space<vmem>>, vector<1x16xf32>,
        %get3A_321 = vector.shape_cast %get3A_320 : vector<1x16xf32> to vector<16xf32>
        %add3A_322 = arith.addf %get3A_317, %get3A_321 : vector<16xf32>
        %mul3A_323 = arith.constant 5.000000e-01 : f32
        %mul3A_324 = vector.broadcast %mul3A_323 : f32 to vector<16xf32>
        %mul3A_325 = arith.mulf %add3A_322, %mul3A_324 : vector<16xf32>
        %swap3A_326 = arith.index_cast %add3A_162 : i32 to index
        %swap3A_327 = arith.constant 144 : index
        %swap3A_328 = tpu.vector_load %arg8[%swap3A_326, %swap3A_327] {strides = array<i32>} : memref<112x256xf32, #tpu.memory_space<vmem>>, vector<1x16xf32>,
        %swap3A_329 = vector.shape_cast %swap3A_328 : vector<1x16xf32> to vector<16xf32>
        %swap3A_330 = vector.shape_cast %mul3A_325 : vector<16xf32> to vector<1x16xf32>
        tpu.vector_store %arg8[%swap3A_326, %swap3A_327], %swap3A_330 {strides = array<i32>} : memref<112x256xf32, #tpu.memory_space<vmem>>, vector<1x16xf32>,
        %get3A_331 = arith.index_cast %add3A_162 : i32 to index
        %get3A_332 = arith.constant 160 : index
        %get3A_333 = tpu.vector_load %arg8[%get3A_331, %get3A_332] {strides = array<i32>} : memref<112x256xf32, #tpu.memory_space<vmem>>, vector<1x16xf32>,
        %get3A_334 = vector.shape_cast %get3A_333 : vector<1x16xf32> to vector<16xf32>
        %get3A_335 = arith.index_cast %add3A_162 : i32 to index
        %get3A_336 = arith.constant 160 : index
        %get3A_337 = tpu.vector_load %arg9[%get3A_335, %get3A_336] {strides = array<i32>} : memref<112x256xf32, #tpu.memory_space<vmem>>, vector<1x16xf32>,
        %get3A_338 = vector.shape_cast %get3A_337 : vector<1x16xf32> to vector<16xf32>
        %add3A_339 = arith.addf %get3A_334, %get3A_338 : vector<16xf32>
        %mul3A_340 = arith.constant 5.000000e-01 : f32
        %mul3A_341 = vector.broadcast %mul3A_340 : f32 to vector<16xf32>
        %mul3A_342 = arith.mulf %add3A_339, %mul3A_341 : vector<16xf32>
        %swap3A_343 = arith.index_cast %add3A_162 : i32 to index
        %swap3A_344 = arith.constant 160 : index
        %swap3A_345 = tpu.vector_load %arg8[%swap3A_343, %swap3A_344] {strides = array<i32>} : memref<112x256xf32, #tpu.memory_space<vmem>>, vector<1x16xf32>,
        %swap3A_346 = vector.shape_cast %swap3A_345 : vector<1x16xf32> to vector<16xf32>
        %swap3A_347 = vector.shape_cast %mul3A_342 : vector<16xf32> to vector<1x16xf32>
        tpu.vector_store %arg8[%swap3A_343, %swap3A_344], %swap3A_347 {strides = array<i32>} : memref<112x256xf32, #tpu.memory_space<vmem>>, vector<1x16xf32>,
        %get3A_348 = arith.index_cast %add3A_162 : i32 to index
        %get3A_349 = arith.constant 176 : index
        %get3A_350 = tpu.vector_load %arg8[%get3A_348, %get3A_349] {strides = array<i32>} : memref<112x256xf32, #tpu.memory_space<vmem>>, vector<1x16xf32>,
        %get3A_351 = vector.shape_cast %get3A_350 : vector<1x16xf32> to vector<16xf32>
        %get3A_352 = arith.index_cast %add3A_162 : i32 to index
        %get3A_353 = arith.constant 176 : index
        %get3A_354 = tpu.vector_load %arg9[%get3A_352, %get3A_353] {strides = array<i32>} : memref<112x256xf32, #tpu.memory_space<vmem>>, vector<1x16xf32>,
        %get3A_355 = vector.shape_cast %get3A_354 : vector<1x16xf32> to vector<16xf32>
        %add3A_356 = arith.addf %get3A_351, %get3A_355 : vector<16xf32>
        %mul3A_357 = arith.constant 5.000000e-01 : f32
        %mul3A_358 = vector.broadcast %mul3A_357 : f32 to vector<16xf32>
        %mul3A_359 = arith.mulf %add3A_356, %mul3A_358 : vector<16xf32>
        %swap3A_360 = arith.index_cast %add3A_162 : i32 to index
        %swap3A_361 = arith.constant 176 : index
        %swap3A_362 = tpu.vector_load %arg8[%swap3A_360, %swap3A_361] {strides = array<i32>} : memref<112x256xf32, #tpu.memory_space<vmem>>, vector<1x16xf32>,
        %swap3A_363 = vector.shape_cast %swap3A_362 : vector<1x16xf32> to vector<16xf32>
        %swap3A_364 = vector.shape_cast %mul3A_359 : vector<16xf32> to vector<1x16xf32>
        tpu.vector_store %arg8[%swap3A_360, %swap3A_361], %swap3A_364 {strides = array<i32>} : memref<112x256xf32, #tpu.memory_space<vmem>>, vector<1x16xf32>,
        %get3A_365 = arith.index_cast %add3A_162 : i32 to index
        %get3A_366 = arith.constant 192 : index
        %get3A_367 = tpu.vector_load %arg8[%get3A_365, %get3A_366] {strides = array<i32>} : memref<112x256xf32, #tpu.memory_space<vmem>>, vector<1x16xf32>,
        %get3A_368 = vector.shape_cast %get3A_367 : vector<1x16xf32> to vector<16xf32>
        %get3A_369 = arith.index_cast %add3A_162 : i32 to index
        %get3A_370 = arith.constant 192 : index
        %get3A_371 = tpu.vector_load %arg9[%get3A_369, %get3A_370] {strides = array<i32>} : memref<112x256xf32, #tpu.memory_space<vmem>>, vector<1x16xf32>,
        %get3A_372 = vector.shape_cast %get3A_371 : vector<1x16xf32> to vector<16xf32>
        %add3A_373 = arith.addf %get3A_368, %get3A_372 : vector<16xf32>
        %mul3A_374 = arith.constant 5.000000e-01 : f32
        %mul3A_375 = vector.broadcast %mul3A_374 : f32 to vector<16xf32>
        %mul3A_376 = arith.mulf %add3A_373, %mul3A_375 : vector<16xf32>
        %swap3A_377 = arith.index_cast %add3A_162 : i32 to index
        %swap3A_378 = arith.constant 192 : index
        %swap3A_379 = tpu.vector_load %arg8[%swap3A_377, %swap3A_378] {strides = array<i32>} : memref<112x256xf32, #tpu.memory_space<vmem>>, vector<1x16xf32>,
        %swap3A_380 = vector.shape_cast %swap3A_379 : vector<1x16xf32> to vector<16xf32>
        %swap3A_381 = vector.shape_cast %mul3A_376 : vector<16xf32> to vector<1x16xf32>
        tpu.vector_store %arg8[%swap3A_377, %swap3A_378], %swap3A_381 {strides = array<i32>} : memref<112x256xf32, #tpu.memory_space<vmem>>, vector<1x16xf32>,
        %get3A_382 = arith.index_cast %add3A_162 : i32 to index
        %get3A_383 = arith.constant 208 : index
        %get3A_384 = tpu.vector_load %arg8[%get3A_382, %get3A_383] {strides = array<i32>} : memref<112x256xf32, #tpu.memory_space<vmem>>, vector<1x16xf32>,
        %get3A_385 = vector.shape_cast %get3A_384 : vector<1x16xf32> to vector<16xf32>
        %get3A_386 = arith.index_cast %add3A_162 : i32 to index
        %get3A_387 = arith.constant 208 : index
        %get3A_388 = tpu.vector_load %arg9[%get3A_386, %get3A_387] {strides = array<i32>} : memref<112x256xf32, #tpu.memory_space<vmem>>, vector<1x16xf32>,
        %get3A_389 = vector.shape_cast %get3A_388 : vector<1x16xf32> to vector<16xf32>
        %add3A_390 = arith.addf %get3A_385, %get3A_389 : vector<16xf32>
        %mul3A_391 = arith.constant 5.000000e-01 : f32
        %mul3A_392 = vector.broadcast %mul3A_391 : f32 to vector<16xf32>
        %mul3A_393 = arith.mulf %add3A_390, %mul3A_392 : vector<16xf32>
        %swap3A_394 = arith.index_cast %add3A_162 : i32 to index
        %swap3A_395 = arith.constant 208 : index
        %swap3A_396 = tpu.vector_load %arg8[%swap3A_394, %swap3A_395] {strides = array<i32>} : memref<112x256xf32, #tpu.memory_space<vmem>>, vector<1x16xf32>,
        %swap3A_397 = vector.shape_cast %swap3A_396 : vector<1x16xf32> to vector<16xf32>
        %swap3A_398 = vector.shape_cast %mul3A_393 : vector<16xf32> to vector<1x16xf32>
        tpu.vector_store %arg8[%swap3A_394, %swap3A_395], %swap3A_398 {strides = array<i32>} : memref<112x256xf32, #tpu.memory_space<vmem>>, vector<1x16xf32>,
        %get3A_399 = arith.index_cast %add3A_162 : i32 to index
        %get3A_400 = arith.constant 224 : index
        %get3A_401 = tpu.vector_load %arg8[%get3A_399, %get3A_400] {strides = array<i32>} : memref<112x256xf32, #tpu.memory_space<vmem>>, vector<1x16xf32>,
        %get3A_402 = vector.shape_cast %get3A_401 : vector<1x16xf32> to vector<16xf32>
        %get3A_403 = arith.index_cast %add3A_162 : i32 to index
        %get3A_404 = arith.constant 224 : index
        %get3A_405 = tpu.vector_load %arg9[%get3A_403, %get3A_404] {strides = array<i32>} : memref<112x256xf32, #tpu.memory_space<vmem>>, vector<1x16xf32>,
        %get3A_406 = vector.shape_cast %get3A_405 : vector<1x16xf32> to vector<16xf32>
        %add3A_407 = arith.addf %get3A_402, %get3A_406 : vector<16xf32>
        %mul3A_408 = arith.constant 5.000000e-01 : f32
        %mul3A_409 = vector.broadcast %mul3A_408 : f32 to vector<16xf32>
        %mul3A_410 = arith.mulf %add3A_407, %mul3A_409 : vector<16xf32>
        %swap3A_411 = arith.index_cast %add3A_162 : i32 to index
        %swap3A_412 = arith.constant 224 : index
        %swap3A_413 = tpu.vector_load %arg8[%swap3A_411, %swap3A_412] {strides = array<i32>} : memref<112x256xf32, #tpu.memory_space<vmem>>, vector<1x16xf32>,
        %swap3A_414 = vector.shape_cast %swap3A_413 : vector<1x16xf32> to vector<16xf32>
        %swap3A_415 = vector.shape_cast %mul3A_410 : vector<16xf32> to vector<1x16xf32>
        tpu.vector_store %arg8[%swap3A_411, %swap3A_412], %swap3A_415 {strides = array<i32>} : memref<112x256xf32, #tpu.memory_space<vmem>>, vector<1x16xf32>,
        %get3A_416 = arith.index_cast %add3A_162 : i32 to index
        %get3A_417 = arith.constant 240 : index
        %get3A_418 = tpu.vector_load %arg8[%get3A_416, %get3A_417] {strides = array<i32>} : memref<112x256xf32, #tpu.memory_space<vmem>>, vector<1x16xf32>,
        %get3A_419 = vector.shape_cast %get3A_418 : vector<1x16xf32> to vector<16xf32>
        %get3A_420 = arith.index_cast %add3A_162 : i32 to index
        %get3A_421 = arith.constant 240 : index
        %get3A_422 = tpu.vector_load %arg9[%get3A_420, %get3A_421] {strides = array<i32>} : memref<112x256xf32, #tpu.memory_space<vmem>>, vector<1x16xf32>,
        %get3A_423 = vector.shape_cast %get3A_422 : vector<1x16xf32> to vector<16xf32>
        %add3A_424 = arith.addf %get3A_419, %get3A_423 : vector<16xf32>
        %mul3A_425 = arith.constant 5.000000e-01 : f32
        %mul3A_426 = vector.broadcast %mul3A_425 : f32 to vector<16xf32>
        %mul3A_427 = arith.mulf %add3A_424, %mul3A_426 : vector<16xf32>
        %swap3A_428 = arith.index_cast %add3A_162 : i32 to index
        %swap3A_429 = arith.constant 240 : index
        %swap3A_430 = tpu.vector_load %arg8[%swap3A_428, %swap3A_429] {strides = array<i32>} : memref<112x256xf32, #tpu.memory_space<vmem>>, vector<1x16xf32>,
        %swap3A_431 = vector.shape_cast %swap3A_430 : vector<1x16xf32> to vector<16xf32>
        %swap3A_432 = vector.shape_cast %mul3A_427 : vector<16xf32> to vector<1x16xf32>
        tpu.vector_store %arg8[%swap3A_428, %swap3A_429], %swap3A_432 {strides = array<i32>} : memref<112x256xf32, #tpu.memory_space<vmem>>, vector<1x16xf32>,
      }
      %scan3A_108 = arith.constant 112 : i32
      %add3A_109 = arith.constant 10000 : i32
      %add3A_110 = arith.addi %add3A_109, %mul3A_2 : i32
      %mul3A_111 = arith.constant 112 : i32
      %mul3A_112 = arith.muli %add3A_80, %mul3A_111 : i32
      %add3A_113 = arith.addi %add3A_110, %mul3A_112 : i32
      %dma_start3A_114 = arith.constant 0 : i32
      %dma_start3A_115 = tpu.memref_slice %arg5[%add3A_113, %dma_start3A_114] : memref<170000x256xf32, #tpu.memory_space<hbm>> -> memref<112x256xf32, #tpu.memory_space<hbm>>
      %dma_start3A_116 = arith.constant 0 : i32
      %dma_start3A_117 = tpu.memref_slice %arg5[%add3A_113, %dma_start3A_116] : memref<170000x256xf32, #tpu.memory_space<hbm>> -> memref<112x256xf32, #tpu.memory_space<hbm>>
      tpu.enqueue_dma source(%arg8 : memref<112x256xf32, #tpu.memory_space<vmem>>) target(%dma_start3A_117 : memref<112x256xf32, #tpu.memory_space<hbm>>) target_semaphore(%arg14 : memref<!tpu.dma_semaphore, #tpu.memory_space<semaphore_mem>>)
      %add3A_118 = arith.constant 1 : i32
      %add3A_119 = arith.addi %add3A_78, %add3A_118 : i32
      %dma_wait3A_120 = arith.constant 0 : i32
      %dma_wait3A_121 = arith.constant 0 : i32
      %dma_wait3A_122 = tpu.memref_slice %arg2[%dma_wait3A_120, %dma_wait3A_121] : memref<10000x256xf32, #tpu.memory_space<hbm>> -> memref<112x256xf32, #tpu.memory_space<hbm>>
      %dma_wait3A_123 = arith.constant 0 : i32
      %dma_wait3A_124 = arith.constant 0 : i32
      %dma_wait3A_125 = tpu.memref_slice %arg2[%dma_wait3A_123, %dma_wait3A_124] : memref<10000x256xf32, #tpu.memory_space<hbm>> -> memref<112x256xf32, #tpu.memory_space<hbm>>
      tpu.wait_dma2 semaphore(%arg13 : memref<!tpu.dma_semaphore, #tpu.memory_space<semaphore_mem>>) src(%dma_wait3A_125 : memref<112x256xf32, #tpu.memory_space<hbm>>) dst(%arg10 : memref<112x256xf32, #tpu.memory_space<vmem>>)
      %dma_wait3A_126 = arith.constant 0 : i32
      %dma_wait3A_127 = arith.constant 0 : i32
      %dma_wait3A_128 = tpu.memref_slice %arg2[%dma_wait3A_126, %dma_wait3A_127] : memref<10000x256xf32, #tpu.memory_space<hbm>> -> memref<112x256xf32, #tpu.memory_space<hbm>>
      %dma_wait3A_129 = arith.constant 0 : i32
      %dma_wait3A_130 = arith.constant 0 : i32
      %dma_wait3A_131 = tpu.memref_slice %arg2[%dma_wait3A_129, %dma_wait3A_130] : memref<10000x256xf32, #tpu.memory_space<hbm>> -> memref<112x256xf32, #tpu.memory_space<hbm>>
      tpu.wait_dma2 semaphore(%arg13 : memref<!tpu.dma_semaphore, #tpu.memory_space<semaphore_mem>>) src(%dma_wait3A_131 : memref<112x256xf32, #tpu.memory_space<hbm>>) dst(%arg11 : memref<112x256xf32, #tpu.memory_space<vmem>>)
      %ge3A_132 = arith.constant 1 : i32
      %ge3A_133 = arith.cmpi sge, %add3A_119, %ge3A_132 : i32
      %convert_element_type3A_134 = arith.extui %ge3A_133 : i1 to i32
      %cond3A_135 = arith.constant 0 : i32
      %cond3A_136 = arith.cmpi ne, %convert_element_type3A_134, %cond3A_135 : i32
      scf.if %cond3A_136 {
        %dma_wait3A_158 = arith.constant 10000 : i32
        %dma_wait3A_159 = arith.constant 0 : i32
        %dma_wait3A_160 = tpu.memref_slice %arg5[%dma_wait3A_158, %dma_wait3A_159] : memref<170000x256xf32, #tpu.memory_space<hbm>> -> memref<112x256xf32, #tpu.memory_space<hbm>>
        %dma_wait3A_161 = arith.constant 10000 : i32
        %dma_wait3A_162 = arith.constant 0 : i32
        %dma_wait3A_163 = tpu.memref_slice %arg5[%dma_wait3A_161, %dma_wait3A_162] : memref<170000x256xf32, #tpu.memory_space<hbm>> -> memref<112x256xf32, #tpu.memory_space<hbm>>
        tpu.wait_dma2 semaphore(%arg14 : memref<!tpu.dma_semaphore, #tpu.memory_space<semaphore_mem>>) src(%arg8 : memref<112x256xf32, #tpu.memory_space<vmem>>) dst(%dma_wait3A_163 : memref<112x256xf32, #tpu.memory_space<hbm>>)
      } else {
      }
      %add3A_137 = arith.constant 1 : i32
      %add3A_138 = arith.addi %add3A_119, %add3A_137 : i32
      %lt3A_139 = arith.constant 44 : i32
      %lt3A_140 = arith.cmpi slt, %add3A_138, %lt3A_139 : i32
      %convert_element_type3A_141 = arith.extui %lt3A_140 : i1 to i32
      %cond3A_142 = arith.constant 0 : i32
      %cond3A_143 = arith.cmpi ne, %convert_element_type3A_141, %cond3A_142 : i32
      scf.if %cond3A_143 {
        %add3A_158 = arith.constant 1 : i32
        %add3A_159 = arith.addi %add3A_119, %add3A_158 : i32
        %mul3A_160 = arith.constant 112 : i32
        %mul3A_161 = arith.muli %add3A_159, %mul3A_160 : i32
        %dma_start3A_162 = tpu.memref_slice %arg6[%mul3A_161] : memref<5000xi32, #tpu.memory_space<vmem>> -> memref<112xi32, #tpu.memory_space<vmem>>
        %dma_start3A_163 = arith.constant 0 : i32
        %dma_start3A_164 = arith.constant 0 : i32
        %dma_start3A_165 = tpu.memref_slice %arg2[%dma_start3A_163, %dma_start3A_164] : memref<10000x256xf32, #tpu.memory_space<hbm>> -> memref<10000x256xf32, #tpu.memory_space<hbm>>
        tpu.enqueue_indirect_dma source(%dma_start3A_165 : memref<10000x256xf32, #tpu.memory_space<hbm>>) target(%arg8 : memref<112x256xf32, #tpu.memory_space<vmem>>) offsets(%dma_start3A_162 : memref<112xi32, #tpu.memory_space<vmem>>) semaphore(%arg12 : memref<!tpu.dma_semaphore, #tpu.memory_space<semaphore_mem>>)
        %dma_start3A_166 = tpu.memref_slice %arg7[%mul3A_161] : memref<5000xi32, #tpu.memory_space<vmem>> -> memref<112xi32, #tpu.memory_space<vmem>>
        %dma_start3A_167 = arith.constant 0 : i32
        %dma_start3A_168 = arith.constant 0 : i32
        %dma_start3A_169 = tpu.memref_slice %arg2[%dma_start3A_167, %dma_start3A_168] : memref<10000x256xf32, #tpu.memory_space<hbm>> -> memref<10000x256xf32, #tpu.memory_space<hbm>>
        tpu.enqueue_indirect_dma source(%dma_start3A_169 : memref<10000x256xf32, #tpu.memory_space<hbm>>) target(%arg9 : memref<112x256xf32, #tpu.memory_space<vmem>>) offsets(%dma_start3A_166 : memref<112xi32, #tpu.memory_space<vmem>>) semaphore(%arg12 : memref<!tpu.dma_semaphore, #tpu.memory_space<semaphore_mem>>)
      } else {
      }
      %scan3A_144 = arith.constant 0 : i32
      %scan3A_145 = arith.constant 112 : i32
      %scan3A_146 = arith.addi %scan3A_144, %scan3A_145 : i32
      %scan3A_147 = arith.constant 1 : i32
      scf.for %scan3A_158 = %scan3A_144 to %scan3A_146 step %scan3A_147  : i32 {
        %mul3A_159 = arith.constant 1 : i32
        %mul3A_160 = arith.muli %scan3A_158, %mul3A_159 : i32
        %add3A_161 = arith.constant 0 : i32
        %add3A_162 = arith.addi %add3A_161, %mul3A_160 : i32
        %get3A = arith.index_cast %add3A_162 : i32 to index
        %get3A_163 = arith.constant 0 : index
        %get3A_164 = tpu.vector_load %arg10[%get3A, %get3A_163] {strides = array<i32>} : memref<112x256xf32, #tpu.memory_space<vmem>>, vector<1x16xf32>,
        %get3A_165 = vector.shape_cast %get3A_164 : vector<1x16xf32> to vector<16xf32>
        %get3A_166 = arith.index_cast %add3A_162 : i32 to index
        %get3A_167 = arith.constant 0 : index
        %get3A_168 = tpu.vector_load %arg11[%get3A_166, %get3A_167] {strides = array<i32>} : memref<112x256xf32, #tpu.memory_space<vmem>>, vector<1x16xf32>,
        %get3A_169 = vector.shape_cast %get3A_168 : vector<1x16xf32> to vector<16xf32>
        %add3A_170 = arith.addf %get3A_165, %get3A_169 : vector<16xf32>
        %mul3A_171 = arith.constant 5.000000e-01 : f32
        %mul3A_172 = vector.broadcast %mul3A_171 : f32 to vector<16xf32>
        %mul3A_173 = arith.mulf %add3A_170, %mul3A_172 : vector<16xf32>
        %swap3A = arith.index_cast %add3A_162 : i32 to index
        %swap3A_174 = arith.constant 0 : index
        %swap3A_175 = tpu.vector_load %arg10[%swap3A, %swap3A_174] {strides = array<i32>} : memref<112x256xf32, #tpu.memory_space<vmem>>, vector<1x16xf32>,
        %swap3A_176 = vector.shape_cast %swap3A_175 : vector<1x16xf32> to vector<16xf32>
        %swap3A_177 = vector.shape_cast %mul3A_173 : vector<16xf32> to vector<1x16xf32>
        tpu.vector_store %arg10[%swap3A, %swap3A_174], %swap3A_177 {strides = array<i32>} : memref<112x256xf32, #tpu.memory_space<vmem>>, vector<1x16xf32>,
        %get3A_178 = arith.index_cast %add3A_162 : i32 to index
        %get3A_179 = arith.constant 16 : index
        %get3A_180 = tpu.vector_load %arg10[%get3A_178, %get3A_179] {strides = array<i32>} : memref<112x256xf32, #tpu.memory_space<vmem>>, vector<1x16xf32>,
        %get3A_181 = vector.shape_cast %get3A_180 : vector<1x16xf32> to vector<16xf32>
        %get3A_182 = arith.index_cast %add3A_162 : i32 to index
        %get3A_183 = arith.constant 16 : index
        %get3A_184 = tpu.vector_load %arg11[%get3A_182, %get3A_183] {strides = array<i32>} : memref<112x256xf32, #tpu.memory_space<vmem>>, vector<1x16xf32>,
        %get3A_185 = vector.shape_cast %get3A_184 : vector<1x16xf32> to vector<16xf32>
        %add3A_186 = arith.addf %get3A_181, %get3A_185 : vector<16xf32>
        %mul3A_187 = arith.constant 5.000000e-01 : f32
        %mul3A_188 = vector.broadcast %mul3A_187 : f32 to vector<16xf32>
        %mul3A_189 = arith.mulf %add3A_186, %mul3A_188 : vector<16xf32>
        %swap3A_190 = arith.index_cast %add3A_162 : i32 to index
        %swap3A_191 = arith.constant 16 : index
        %swap3A_192 = tpu.vector_load %arg10[%swap3A_190, %swap3A_191] {strides = array<i32>} : memref<112x256xf32, #tpu.memory_space<vmem>>, vector<1x16xf32>,
        %swap3A_193 = vector.shape_cast %swap3A_192 : vector<1x16xf32> to vector<16xf32>
        %swap3A_194 = vector.shape_cast %mul3A_189 : vector<16xf32> to vector<1x16xf32>
        tpu.vector_store %arg10[%swap3A_190, %swap3A_191], %swap3A_194 {strides = array<i32>} : memref<112x256xf32, #tpu.memory_space<vmem>>, vector<1x16xf32>,
        %get3A_195 = arith.index_cast %add3A_162 : i32 to index
        %get3A_196 = arith.constant 32 : index
        %get3A_197 = tpu.vector_load %arg10[%get3A_195, %get3A_196] {strides = array<i32>} : memref<112x256xf32, #tpu.memory_space<vmem>>, vector<1x16xf32>,
        %get3A_198 = vector.shape_cast %get3A_197 : vector<1x16xf32> to vector<16xf32>
        %get3A_199 = arith.index_cast %add3A_162 : i32 to index
        %get3A_200 = arith.constant 32 : index
        %get3A_201 = tpu.vector_load %arg11[%get3A_199, %get3A_200] {strides = array<i32>} : memref<112x256xf32, #tpu.memory_space<vmem>>, vector<1x16xf32>,
        %get3A_202 = vector.shape_cast %get3A_201 : vector<1x16xf32> to vector<16xf32>
        %add3A_203 = arith.addf %get3A_198, %get3A_202 : vector<16xf32>
        %mul3A_204 = arith.constant 5.000000e-01 : f32
        %mul3A_205 = vector.broadcast %mul3A_204 : f32 to vector<16xf32>
        %mul3A_206 = arith.mulf %add3A_203, %mul3A_205 : vector<16xf32>
        %swap3A_207 = arith.index_cast %add3A_162 : i32 to index
        %swap3A_208 = arith.constant 32 : index
        %swap3A_209 = tpu.vector_load %arg10[%swap3A_207, %swap3A_208] {strides = array<i32>} : memref<112x256xf32, #tpu.memory_space<vmem>>, vector<1x16xf32>,
        %swap3A_210 = vector.shape_cast %swap3A_209 : vector<1x16xf32> to vector<16xf32>
        %swap3A_211 = vector.shape_cast %mul3A_206 : vector<16xf32> to vector<1x16xf32>
        tpu.vector_store %arg10[%swap3A_207, %swap3A_208], %swap3A_211 {strides = array<i32>} : memref<112x256xf32, #tpu.memory_space<vmem>>, vector<1x16xf32>,
        %get3A_212 = arith.index_cast %add3A_162 : i32 to index
        %get3A_213 = arith.constant 48 : index
        %get3A_214 = tpu.vector_load %arg10[%get3A_212, %get3A_213] {strides = array<i32>} : memref<112x256xf32, #tpu.memory_space<vmem>>, vector<1x16xf32>,
        %get3A_215 = vector.shape_cast %get3A_214 : vector<1x16xf32> to vector<16xf32>
        %get3A_216 = arith.index_cast %add3A_162 : i32 to index
        %get3A_217 = arith.constant 48 : index
        %get3A_218 = tpu.vector_load %arg11[%get3A_216, %get3A_217] {strides = array<i32>} : memref<112x256xf32, #tpu.memory_space<vmem>>, vector<1x16xf32>,
        %get3A_219 = vector.shape_cast %get3A_218 : vector<1x16xf32> to vector<16xf32>
        %add3A_220 = arith.addf %get3A_215, %get3A_219 : vector<16xf32>
        %mul3A_221 = arith.constant 5.000000e-01 : f32
        %mul3A_222 = vector.broadcast %mul3A_221 : f32 to vector<16xf32>
        %mul3A_223 = arith.mulf %add3A_220, %mul3A_222 : vector<16xf32>
        %swap3A_224 = arith.index_cast %add3A_162 : i32 to index
        %swap3A_225 = arith.constant 48 : index
        %swap3A_226 = tpu.vector_load %arg10[%swap3A_224, %swap3A_225] {strides = array<i32>} : memref<112x256xf32, #tpu.memory_space<vmem>>, vector<1x16xf32>,
        %swap3A_227 = vector.shape_cast %swap3A_226 : vector<1x16xf32> to vector<16xf32>
        %swap3A_228 = vector.shape_cast %mul3A_223 : vector<16xf32> to vector<1x16xf32>
        tpu.vector_store %arg10[%swap3A_224, %swap3A_225], %swap3A_228 {strides = array<i32>} : memref<112x256xf32, #tpu.memory_space<vmem>>, vector<1x16xf32>,
        %get3A_229 = arith.index_cast %add3A_162 : i32 to index
        %get3A_230 = arith.constant 64 : index
        %get3A_231 = tpu.vector_load %arg10[%get3A_229, %get3A_230] {strides = array<i32>} : memref<112x256xf32, #tpu.memory_space<vmem>>, vector<1x16xf32>,
        %get3A_232 = vector.shape_cast %get3A_231 : vector<1x16xf32> to vector<16xf32>
        %get3A_233 = arith.index_cast %add3A_162 : i32 to index
        %get3A_234 = arith.constant 64 : index
        %get3A_235 = tpu.vector_load %arg11[%get3A_233, %get3A_234] {strides = array<i32>} : memref<112x256xf32, #tpu.memory_space<vmem>>, vector<1x16xf32>,
        %get3A_236 = vector.shape_cast %get3A_235 : vector<1x16xf32> to vector<16xf32>
        %add3A_237 = arith.addf %get3A_232, %get3A_236 : vector<16xf32>
        %mul3A_238 = arith.constant 5.000000e-01 : f32
        %mul3A_239 = vector.broadcast %mul3A_238 : f32 to vector<16xf32>
        %mul3A_240 = arith.mulf %add3A_237, %mul3A_239 : vector<16xf32>
        %swap3A_241 = arith.index_cast %add3A_162 : i32 to index
        %swap3A_242 = arith.constant 64 : index
        %swap3A_243 = tpu.vector_load %arg10[%swap3A_241, %swap3A_242] {strides = array<i32>} : memref<112x256xf32, #tpu.memory_space<vmem>>, vector<1x16xf32>,
        %swap3A_244 = vector.shape_cast %swap3A_243 : vector<1x16xf32> to vector<16xf32>
        %swap3A_245 = vector.shape_cast %mul3A_240 : vector<16xf32> to vector<1x16xf32>
        tpu.vector_store %arg10[%swap3A_241, %swap3A_242], %swap3A_245 {strides = array<i32>} : memref<112x256xf32, #tpu.memory_space<vmem>>, vector<1x16xf32>,
        %get3A_246 = arith.index_cast %add3A_162 : i32 to index
        %get3A_247 = arith.constant 80 : index
        %get3A_248 = tpu.vector_load %arg10[%get3A_246, %get3A_247] {strides = array<i32>} : memref<112x256xf32, #tpu.memory_space<vmem>>, vector<1x16xf32>,
        %get3A_249 = vector.shape_cast %get3A_248 : vector<1x16xf32> to vector<16xf32>
        %get3A_250 = arith.index_cast %add3A_162 : i32 to index
        %get3A_251 = arith.constant 80 : index
        %get3A_252 = tpu.vector_load %arg11[%get3A_250, %get3A_251] {strides = array<i32>} : memref<112x256xf32, #tpu.memory_space<vmem>>, vector<1x16xf32>,
        %get3A_253 = vector.shape_cast %get3A_252 : vector<1x16xf32> to vector<16xf32>
        %add3A_254 = arith.addf %get3A_249, %get3A_253 : vector<16xf32>
        %mul3A_255 = arith.constant 5.000000e-01 : f32
        %mul3A_256 = vector.broadcast %mul3A_255 : f32 to vector<16xf32>
        %mul3A_257 = arith.mulf %add3A_254, %mul3A_256 : vector<16xf32>
        %swap3A_258 = arith.index_cast %add3A_162 : i32 to index
        %swap3A_259 = arith.constant 80 : index
        %swap3A_260 = tpu.vector_load %arg10[%swap3A_258, %swap3A_259] {strides = array<i32>} : memref<112x256xf32, #tpu.memory_space<vmem>>, vector<1x16xf32>,
        %swap3A_261 = vector.shape_cast %swap3A_260 : vector<1x16xf32> to vector<16xf32>
        %swap3A_262 = vector.shape_cast %mul3A_257 : vector<16xf32> to vector<1x16xf32>
        tpu.vector_store %arg10[%swap3A_258, %swap3A_259], %swap3A_262 {strides = array<i32>} : memref<112x256xf32, #tpu.memory_space<vmem>>, vector<1x16xf32>,
        %get3A_263 = arith.index_cast %add3A_162 : i32 to index
        %get3A_264 = arith.constant 96 : index
        %get3A_265 = tpu.vector_load %arg10[%get3A_263, %get3A_264] {strides = array<i32>} : memref<112x256xf32, #tpu.memory_space<vmem>>, vector<1x16xf32>,
        %get3A_266 = vector.shape_cast %get3A_265 : vector<1x16xf32> to vector<16xf32>
        %get3A_267 = arith.index_cast %add3A_162 : i32 to index
        %get3A_268 = arith.constant 96 : index
        %get3A_269 = tpu.vector_load %arg11[%get3A_267, %get3A_268] {strides = array<i32>} : memref<112x256xf32, #tpu.memory_space<vmem>>, vector<1x16xf32>,
        %get3A_270 = vector.shape_cast %get3A_269 : vector<1x16xf32> to vector<16xf32>
        %add3A_271 = arith.addf %get3A_266, %get3A_270 : vector<16xf32>
        %mul3A_272 = arith.constant 5.000000e-01 : f32
        %mul3A_273 = vector.broadcast %mul3A_272 : f32 to vector<16xf32>
        %mul3A_274 = arith.mulf %add3A_271, %mul3A_273 : vector<16xf32>
        %swap3A_275 = arith.index_cast %add3A_162 : i32 to index
        %swap3A_276 = arith.constant 96 : index
        %swap3A_277 = tpu.vector_load %arg10[%swap3A_275, %swap3A_276] {strides = array<i32>} : memref<112x256xf32, #tpu.memory_space<vmem>>, vector<1x16xf32>,
        %swap3A_278 = vector.shape_cast %swap3A_277 : vector<1x16xf32> to vector<16xf32>
        %swap3A_279 = vector.shape_cast %mul3A_274 : vector<16xf32> to vector<1x16xf32>
        tpu.vector_store %arg10[%swap3A_275, %swap3A_276], %swap3A_279 {strides = array<i32>} : memref<112x256xf32, #tpu.memory_space<vmem>>, vector<1x16xf32>,
        %get3A_280 = arith.index_cast %add3A_162 : i32 to index
        %get3A_281 = arith.constant 112 : index
        %get3A_282 = tpu.vector_load %arg10[%get3A_280, %get3A_281] {strides = array<i32>} : memref<112x256xf32, #tpu.memory_space<vmem>>, vector<1x16xf32>,
        %get3A_283 = vector.shape_cast %get3A_282 : vector<1x16xf32> to vector<16xf32>
        %get3A_284 = arith.index_cast %add3A_162 : i32 to index
        %get3A_285 = arith.constant 112 : index
        %get3A_286 = tpu.vector_load %arg11[%get3A_284, %get3A_285] {strides = array<i32>} : memref<112x256xf32, #tpu.memory_space<vmem>>, vector<1x16xf32>,
        %get3A_287 = vector.shape_cast %get3A_286 : vector<1x16xf32> to vector<16xf32>
        %add3A_288 = arith.addf %get3A_283, %get3A_287 : vector<16xf32>
        %mul3A_289 = arith.constant 5.000000e-01 : f32
        %mul3A_290 = vector.broadcast %mul3A_289 : f32 to vector<16xf32>
        %mul3A_291 = arith.mulf %add3A_288, %mul3A_290 : vector<16xf32>
        %swap3A_292 = arith.index_cast %add3A_162 : i32 to index
        %swap3A_293 = arith.constant 112 : index
        %swap3A_294 = tpu.vector_load %arg10[%swap3A_292, %swap3A_293] {strides = array<i32>} : memref<112x256xf32, #tpu.memory_space<vmem>>, vector<1x16xf32>,
        %swap3A_295 = vector.shape_cast %swap3A_294 : vector<1x16xf32> to vector<16xf32>
        %swap3A_296 = vector.shape_cast %mul3A_291 : vector<16xf32> to vector<1x16xf32>
        tpu.vector_store %arg10[%swap3A_292, %swap3A_293], %swap3A_296 {strides = array<i32>} : memref<112x256xf32, #tpu.memory_space<vmem>>, vector<1x16xf32>,
        %get3A_297 = arith.index_cast %add3A_162 : i32 to index
        %get3A_298 = arith.constant 128 : index
        %get3A_299 = tpu.vector_load %arg10[%get3A_297, %get3A_298] {strides = array<i32>} : memref<112x256xf32, #tpu.memory_space<vmem>>, vector<1x16xf32>,
        %get3A_300 = vector.shape_cast %get3A_299 : vector<1x16xf32> to vector<16xf32>
        %get3A_301 = arith.index_cast %add3A_162 : i32 to index
        %get3A_302 = arith.constant 128 : index
        %get3A_303 = tpu.vector_load %arg11[%get3A_301, %get3A_302] {strides = array<i32>} : memref<112x256xf32, #tpu.memory_space<vmem>>, vector<1x16xf32>,
        %get3A_304 = vector.shape_cast %get3A_303 : vector<1x16xf32> to vector<16xf32>
        %add3A_305 = arith.addf %get3A_300, %get3A_304 : vector<16xf32>
        %mul3A_306 = arith.constant 5.000000e-01 : f32
        %mul3A_307 = vector.broadcast %mul3A_306 : f32 to vector<16xf32>
        %mul3A_308 = arith.mulf %add3A_305, %mul3A_307 : vector<16xf32>
        %swap3A_309 = arith.index_cast %add3A_162 : i32 to index
        %swap3A_310 = arith.constant 128 : index
        %swap3A_311 = tpu.vector_load %arg10[%swap3A_309, %swap3A_310] {strides = array<i32>} : memref<112x256xf32, #tpu.memory_space<vmem>>, vector<1x16xf32>,
        %swap3A_312 = vector.shape_cast %swap3A_311 : vector<1x16xf32> to vector<16xf32>
        %swap3A_313 = vector.shape_cast %mul3A_308 : vector<16xf32> to vector<1x16xf32>
        tpu.vector_store %arg10[%swap3A_309, %swap3A_310], %swap3A_313 {strides = array<i32>} : memref<112x256xf32, #tpu.memory_space<vmem>>, vector<1x16xf32>,
        %get3A_314 = arith.index_cast %add3A_162 : i32 to index
        %get3A_315 = arith.constant 144 : index
        %get3A_316 = tpu.vector_load %arg10[%get3A_314, %get3A_315] {strides = array<i32>} : memref<112x256xf32, #tpu.memory_space<vmem>>, vector<1x16xf32>,
        %get3A_317 = vector.shape_cast %get3A_316 : vector<1x16xf32> to vector<16xf32>
        %get3A_318 = arith.index_cast %add3A_162 : i32 to index
        %get3A_319 = arith.constant 144 : index
        %get3A_320 = tpu.vector_load %arg11[%get3A_318, %get3A_319] {strides = array<i32>} : memref<112x256xf32, #tpu.memory_space<vmem>>, vector<1x16xf32>,
        %get3A_321 = vector.shape_cast %get3A_320 : vector<1x16xf32> to vector<16xf32>
        %add3A_322 = arith.addf %get3A_317, %get3A_321 : vector<16xf32>
        %mul3A_323 = arith.constant 5.000000e-01 : f32
        %mul3A_324 = vector.broadcast %mul3A_323 : f32 to vector<16xf32>
        %mul3A_325 = arith.mulf %add3A_322, %mul3A_324 : vector<16xf32>
        %swap3A_326 = arith.index_cast %add3A_162 : i32 to index
        %swap3A_327 = arith.constant 144 : index
        %swap3A_328 = tpu.vector_load %arg10[%swap3A_326, %swap3A_327] {strides = array<i32>} : memref<112x256xf32, #tpu.memory_space<vmem>>, vector<1x16xf32>,
        %swap3A_329 = vector.shape_cast %swap3A_328 : vector<1x16xf32> to vector<16xf32>
        %swap3A_330 = vector.shape_cast %mul3A_325 : vector<16xf32> to vector<1x16xf32>
        tpu.vector_store %arg10[%swap3A_326, %swap3A_327], %swap3A_330 {strides = array<i32>} : memref<112x256xf32, #tpu.memory_space<vmem>>, vector<1x16xf32>,
        %get3A_331 = arith.index_cast %add3A_162 : i32 to index
        %get3A_332 = arith.constant 160 : index
        %get3A_333 = tpu.vector_load %arg10[%get3A_331, %get3A_332] {strides = array<i32>} : memref<112x256xf32, #tpu.memory_space<vmem>>, vector<1x16xf32>,
        %get3A_334 = vector.shape_cast %get3A_333 : vector<1x16xf32> to vector<16xf32>
        %get3A_335 = arith.index_cast %add3A_162 : i32 to index
        %get3A_336 = arith.constant 160 : index
        %get3A_337 = tpu.vector_load %arg11[%get3A_335, %get3A_336] {strides = array<i32>} : memref<112x256xf32, #tpu.memory_space<vmem>>, vector<1x16xf32>,
        %get3A_338 = vector.shape_cast %get3A_337 : vector<1x16xf32> to vector<16xf32>
        %add3A_339 = arith.addf %get3A_334, %get3A_338 : vector<16xf32>
        %mul3A_340 = arith.constant 5.000000e-01 : f32
        %mul3A_341 = vector.broadcast %mul3A_340 : f32 to vector<16xf32>
        %mul3A_342 = arith.mulf %add3A_339, %mul3A_341 : vector<16xf32>
        %swap3A_343 = arith.index_cast %add3A_162 : i32 to index
        %swap3A_344 = arith.constant 160 : index
        %swap3A_345 = tpu.vector_load %arg10[%swap3A_343, %swap3A_344] {strides = array<i32>} : memref<112x256xf32, #tpu.memory_space<vmem>>, vector<1x16xf32>,
        %swap3A_346 = vector.shape_cast %swap3A_345 : vector<1x16xf32> to vector<16xf32>
        %swap3A_347 = vector.shape_cast %mul3A_342 : vector<16xf32> to vector<1x16xf32>
        tpu.vector_store %arg10[%swap3A_343, %swap3A_344], %swap3A_347 {strides = array<i32>} : memref<112x256xf32, #tpu.memory_space<vmem>>, vector<1x16xf32>,
        %get3A_348 = arith.index_cast %add3A_162 : i32 to index
        %get3A_349 = arith.constant 176 : index
        %get3A_350 = tpu.vector_load %arg10[%get3A_348, %get3A_349] {strides = array<i32>} : memref<112x256xf32, #tpu.memory_space<vmem>>, vector<1x16xf32>,
        %get3A_351 = vector.shape_cast %get3A_350 : vector<1x16xf32> to vector<16xf32>
        %get3A_352 = arith.index_cast %add3A_162 : i32 to index
        %get3A_353 = arith.constant 176 : index
        %get3A_354 = tpu.vector_load %arg11[%get3A_352, %get3A_353] {strides = array<i32>} : memref<112x256xf32, #tpu.memory_space<vmem>>, vector<1x16xf32>,
        %get3A_355 = vector.shape_cast %get3A_354 : vector<1x16xf32> to vector<16xf32>
        %add3A_356 = arith.addf %get3A_351, %get3A_355 : vector<16xf32>
        %mul3A_357 = arith.constant 5.000000e-01 : f32
        %mul3A_358 = vector.broadcast %mul3A_357 : f32 to vector<16xf32>
        %mul3A_359 = arith.mulf %add3A_356, %mul3A_358 : vector<16xf32>
        %swap3A_360 = arith.index_cast %add3A_162 : i32 to index
        %swap3A_361 = arith.constant 176 : index
        %swap3A_362 = tpu.vector_load %arg10[%swap3A_360, %swap3A_361] {strides = array<i32>} : memref<112x256xf32, #tpu.memory_space<vmem>>, vector<1x16xf32>,
        %swap3A_363 = vector.shape_cast %swap3A_362 : vector<1x16xf32> to vector<16xf32>
        %swap3A_364 = vector.shape_cast %mul3A_359 : vector<16xf32> to vector<1x16xf32>
        tpu.vector_store %arg10[%swap3A_360, %swap3A_361], %swap3A_364 {strides = array<i32>} : memref<112x256xf32, #tpu.memory_space<vmem>>, vector<1x16xf32>,
        %get3A_365 = arith.index_cast %add3A_162 : i32 to index
        %get3A_366 = arith.constant 192 : index
        %get3A_367 = tpu.vector_load %arg10[%get3A_365, %get3A_366] {strides = array<i32>} : memref<112x256xf32, #tpu.memory_space<vmem>>, vector<1x16xf32>,
        %get3A_368 = vector.shape_cast %get3A_367 : vector<1x16xf32> to vector<16xf32>
        %get3A_369 = arith.index_cast %add3A_162 : i32 to index
        %get3A_370 = arith.constant 192 : index
        %get3A_371 = tpu.vector_load %arg11[%get3A_369, %get3A_370] {strides = array<i32>} : memref<112x256xf32, #tpu.memory_space<vmem>>, vector<1x16xf32>,
        %get3A_372 = vector.shape_cast %get3A_371 : vector<1x16xf32> to vector<16xf32>
        %add3A_373 = arith.addf %get3A_368, %get3A_372 : vector<16xf32>
        %mul3A_374 = arith.constant 5.000000e-01 : f32
        %mul3A_375 = vector.broadcast %mul3A_374 : f32 to vector<16xf32>
        %mul3A_376 = arith.mulf %add3A_373, %mul3A_375 : vector<16xf32>
        %swap3A_377 = arith.index_cast %add3A_162 : i32 to index
        %swap3A_378 = arith.constant 192 : index
        %swap3A_379 = tpu.vector_load %arg10[%swap3A_377, %swap3A_378] {strides = array<i32>} : memref<112x256xf32, #tpu.memory_space<vmem>>, vector<1x16xf32>,
        %swap3A_380 = vector.shape_cast %swap3A_379 : vector<1x16xf32> to vector<16xf32>
        %swap3A_381 = vector.shape_cast %mul3A_376 : vector<16xf32> to vector<1x16xf32>
        tpu.vector_store %arg10[%swap3A_377, %swap3A_378], %swap3A_381 {strides = array<i32>} : memref<112x256xf32, #tpu.memory_space<vmem>>, vector<1x16xf32>,
        %get3A_382 = arith.index_cast %add3A_162 : i32 to index
        %get3A_383 = arith.constant 208 : index
        %get3A_384 = tpu.vector_load %arg10[%get3A_382, %get3A_383] {strides = array<i32>} : memref<112x256xf32, #tpu.memory_space<vmem>>, vector<1x16xf32>,
        %get3A_385 = vector.shape_cast %get3A_384 : vector<1x16xf32> to vector<16xf32>
        %get3A_386 = arith.index_cast %add3A_162 : i32 to index
        %get3A_387 = arith.constant 208 : index
        %get3A_388 = tpu.vector_load %arg11[%get3A_386, %get3A_387] {strides = array<i32>} : memref<112x256xf32, #tpu.memory_space<vmem>>, vector<1x16xf32>,
        %get3A_389 = vector.shape_cast %get3A_388 : vector<1x16xf32> to vector<16xf32>
        %add3A_390 = arith.addf %get3A_385, %get3A_389 : vector<16xf32>
        %mul3A_391 = arith.constant 5.000000e-01 : f32
        %mul3A_392 = vector.broadcast %mul3A_391 : f32 to vector<16xf32>
        %mul3A_393 = arith.mulf %add3A_390, %mul3A_392 : vector<16xf32>
        %swap3A_394 = arith.index_cast %add3A_162 : i32 to index
        %swap3A_395 = arith.constant 208 : index
        %swap3A_396 = tpu.vector_load %arg10[%swap3A_394, %swap3A_395] {strides = array<i32>} : memref<112x256xf32, #tpu.memory_space<vmem>>, vector<1x16xf32>,
        %swap3A_397 = vector.shape_cast %swap3A_396 : vector<1x16xf32> to vector<16xf32>
        %swap3A_398 = vector.shape_cast %mul3A_393 : vector<16xf32> to vector<1x16xf32>
        tpu.vector_store %arg10[%swap3A_394, %swap3A_395], %swap3A_398 {strides = array<i32>} : memref<112x256xf32, #tpu.memory_space<vmem>>, vector<1x16xf32>,
        %get3A_399 = arith.index_cast %add3A_162 : i32 to index
        %get3A_400 = arith.constant 224 : index
        %get3A_401 = tpu.vector_load %arg10[%get3A_399, %get3A_400] {strides = array<i32>} : memref<112x256xf32, #tpu.memory_space<vmem>>, vector<1x16xf32>,
        %get3A_402 = vector.shape_cast %get3A_401 : vector<1x16xf32> to vector<16xf32>
        %get3A_403 = arith.index_cast %add3A_162 : i32 to index
        %get3A_404 = arith.constant 224 : index
        %get3A_405 = tpu.vector_load %arg11[%get3A_403, %get3A_404] {strides = array<i32>} : memref<112x256xf32, #tpu.memory_space<vmem>>, vector<1x16xf32>,
        %get3A_406 = vector.shape_cast %get3A_405 : vector<1x16xf32> to vector<16xf32>
        %add3A_407 = arith.addf %get3A_402, %get3A_406 : vector<16xf32>
        %mul3A_408 = arith.constant 5.000000e-01 : f32
        %mul3A_409 = vector.broadcast %mul3A_408 : f32 to vector<16xf32>
        %mul3A_410 = arith.mulf %add3A_407, %mul3A_409 : vector<16xf32>
        %swap3A_411 = arith.index_cast %add3A_162 : i32 to index
        %swap3A_412 = arith.constant 224 : index
        %swap3A_413 = tpu.vector_load %arg10[%swap3A_411, %swap3A_412] {strides = array<i32>} : memref<112x256xf32, #tpu.memory_space<vmem>>, vector<1x16xf32>,
        %swap3A_414 = vector.shape_cast %swap3A_413 : vector<1x16xf32> to vector<16xf32>
        %swap3A_415 = vector.shape_cast %mul3A_410 : vector<16xf32> to vector<1x16xf32>
        tpu.vector_store %arg10[%swap3A_411, %swap3A_412], %swap3A_415 {strides = array<i32>} : memref<112x256xf32, #tpu.memory_space<vmem>>, vector<1x16xf32>,
        %get3A_416 = arith.index_cast %add3A_162 : i32 to index
        %get3A_417 = arith.constant 240 : index
        %get3A_418 = tpu.vector_load %arg10[%get3A_416, %get3A_417] {strides = array<i32>} : memref<112x256xf32, #tpu.memory_space<vmem>>, vector<1x16xf32>,
        %get3A_419 = vector.shape_cast %get3A_418 : vector<1x16xf32> to vector<16xf32>
        %get3A_420 = arith.index_cast %add3A_162 : i32 to index
        %get3A_421 = arith.constant 240 : index
        %get3A_422 = tpu.vector_load %arg11[%get3A_420, %get3A_421] {strides = array<i32>} : memref<112x256xf32, #tpu.memory_space<vmem>>, vector<1x16xf32>,
        %get3A_423 = vector.shape_cast %get3A_422 : vector<1x16xf32> to vector<16xf32>
        %add3A_424 = arith.addf %get3A_419, %get3A_423 : vector<16xf32>
        %mul3A_425 = arith.constant 5.000000e-01 : f32
        %mul3A_426 = vector.broadcast %mul3A_425 : f32 to vector<16xf32>
        %mul3A_427 = arith.mulf %add3A_424, %mul3A_426 : vector<16xf32>
        %swap3A_428 = arith.index_cast %add3A_162 : i32 to index
        %swap3A_429 = arith.constant 240 : index
        %swap3A_430 = tpu.vector_load %arg10[%swap3A_428, %swap3A_429] {strides = array<i32>} : memref<112x256xf32, #tpu.memory_space<vmem>>, vector<1x16xf32>,
        %swap3A_431 = vector.shape_cast %swap3A_430 : vector<1x16xf32> to vector<16xf32>
        %swap3A_432 = vector.shape_cast %mul3A_427 : vector<16xf32> to vector<1x16xf32>
        tpu.vector_store %arg10[%swap3A_428, %swap3A_429], %swap3A_432 {strides = array<i32>} : memref<112x256xf32, #tpu.memory_space<vmem>>, vector<1x16xf32>,
      }
      %scan3A_148 = arith.constant 112 : i32
      %add3A_149 = arith.constant 10000 : i32
      %add3A_150 = arith.addi %add3A_149, %mul3A_2 : i32
      %mul3A_151 = arith.constant 112 : i32
      %mul3A_152 = arith.muli %add3A_119, %mul3A_151 : i32
      %add3A_153 = arith.addi %add3A_150, %mul3A_152 : i32
      %dma_start3A_154 = arith.constant 0 : i32
      %dma_start3A_155 = tpu.memref_slice %arg5[%add3A_153, %dma_start3A_154] : memref<170000x256xf32, #tpu.memory_space<hbm>> -> memref<112x256xf32, #tpu.memory_space<hbm>>
      %dma_start3A_156 = arith.constant 0 : i32
      %dma_start3A_157 = tpu.memref_slice %arg5[%add3A_153, %dma_start3A_156] : memref<170000x256xf32, #tpu.memory_space<hbm>> -> memref<112x256xf32, #tpu.memory_space<hbm>>
      tpu.enqueue_dma source(%arg10 : memref<112x256xf32, #tpu.memory_space<vmem>>) target(%dma_start3A_157 : memref<112x256xf32, #tpu.memory_space<hbm>>) target_semaphore(%arg15 : memref<!tpu.dma_semaphore, #tpu.memory_space<semaphore_mem>>)
    }
    %scan3A_21 = arith.constant 22 : i32
    %dma_start3A_22 = arith.constant 0 : i32
    %dma_start3A_23 = arith.constant 0 : i32
    %dma_start3A_24 = tpu.memref_slice %arg8[%dma_start3A_22, %dma_start3A_23] : memref<112x256xf32, #tpu.memory_space<vmem>> -> memref<72x256xf32, #tpu.memory_space<vmem>>
    %dma_start3A_25 = arith.constant 4928 : i32
    %dma_start3A_26 = tpu.memref_slice %arg6[%dma_start3A_25] : memref<5000xi32, #tpu.memory_space<vmem>> -> memref<72xi32, #tpu.memory_space<vmem>>
    %dma_start3A_27 = arith.constant 0 : i32
    %dma_start3A_28 = arith.constant 0 : i32
    %dma_start3A_29 = tpu.memref_slice %arg2[%dma_start3A_27, %dma_start3A_28] : memref<10000x256xf32, #tpu.memory_space<hbm>> -> memref<10000x256xf32, #tpu.memory_space<hbm>>
    tpu.enqueue_indirect_dma source(%dma_start3A_29 : memref<10000x256xf32, #tpu.memory_space<hbm>>) target(%dma_start3A_24 : memref<72x256xf32, #tpu.memory_space<vmem>>) offsets(%dma_start3A_26 : memref<72xi32, #tpu.memory_space<vmem>>) semaphore(%arg12 : memref<!tpu.dma_semaphore, #tpu.memory_space<semaphore_mem>>)
    %dma_start3A_30 = arith.constant 0 : i32
    %dma_start3A_31 = arith.constant 0 : i32
    %dma_start3A_32 = tpu.memref_slice %arg9[%dma_start3A_30, %dma_start3A_31] : memref<112x256xf32, #tpu.memory_space<vmem>> -> memref<72x256xf32, #tpu.memory_space<vmem>>
    %dma_start3A_33 = arith.constant 4928 : i32
    %dma_start3A_34 = tpu.memref_slice %arg7[%dma_start3A_33] : memref<5000xi32, #tpu.memory_space<vmem>> -> memref<72xi32, #tpu.memory_space<vmem>>
    %dma_start3A_35 = arith.constant 0 : i32
    %dma_start3A_36 = arith.constant 0 : i32
    %dma_start3A_37 = tpu.memref_slice %arg2[%dma_start3A_35, %dma_start3A_36] : memref<10000x256xf32, #tpu.memory_space<hbm>> -> memref<10000x256xf32, #tpu.memory_space<hbm>>
    tpu.enqueue_indirect_dma source(%dma_start3A_37 : memref<10000x256xf32, #tpu.memory_space<hbm>>) target(%dma_start3A_32 : memref<72x256xf32, #tpu.memory_space<vmem>>) offsets(%dma_start3A_34 : memref<72xi32, #tpu.memory_space<vmem>>) semaphore(%arg12 : memref<!tpu.dma_semaphore, #tpu.memory_space<semaphore_mem>>)
    %dma_wait3A = arith.constant 10000 : i32
    %dma_wait3A_38 = arith.constant 0 : i32
    %dma_wait3A_39 = tpu.memref_slice %arg5[%dma_wait3A, %dma_wait3A_38] : memref<170000x256xf32, #tpu.memory_space<hbm>> -> memref<112x256xf32, #tpu.memory_space<hbm>>
    %dma_wait3A_40 = arith.constant 10000 : i32
    %dma_wait3A_41 = arith.constant 0 : i32
    %dma_wait3A_42 = tpu.memref_slice %arg5[%dma_wait3A_40, %dma_wait3A_41] : memref<170000x256xf32, #tpu.memory_space<hbm>> -> memref<112x256xf32, #tpu.memory_space<hbm>>
    tpu.wait_dma2 semaphore(%arg15 : memref<!tpu.dma_semaphore, #tpu.memory_space<semaphore_mem>>) src(%arg10 : memref<112x256xf32, #tpu.memory_space<vmem>>) dst(%dma_wait3A_42 : memref<112x256xf32, #tpu.memory_space<hbm>>)
    %dma_wait3A_43 = arith.constant 0 : i32
    %dma_wait3A_44 = arith.constant 0 : i32
    %dma_wait3A_45 = tpu.memref_slice %arg8[%dma_wait3A_43, %dma_wait3A_44] : memref<112x256xf32, #tpu.memory_space<vmem>> -> memref<72x256xf32, #tpu.memory_space<vmem>>
    %dma_wait3A_46 = arith.constant 4928 : i32
    %dma_wait3A_47 = tpu.memref_slice %arg6[%dma_wait3A_46] : memref<5000xi32, #tpu.memory_space<vmem>> -> memref<72xi32, #tpu.memory_space<vmem>>
    %dma_wait3A_48 = arith.constant 0 : i32
    %dma_wait3A_49 = arith.constant 0 : i32
    %dma_wait3A_50 = tpu.memref_slice %arg2[%dma_wait3A_48, %dma_wait3A_49] : memref<10000x256xf32, #tpu.memory_space<hbm>> -> memref<10000x256xf32, #tpu.memory_space<hbm>>
    tpu.wait_indirect_dma semaphore(%arg12 : memref<!tpu.dma_semaphore, #tpu.memory_space<semaphore_mem>>) src(%dma_wait3A_50 : memref<10000x256xf32, #tpu.memory_space<hbm>>) dst(%dma_wait3A_45 : memref<72x256xf32, #tpu.memory_space<vmem>>)
    %dma_wait3A_51 = arith.constant 0 : i32
    %dma_wait3A_52 = arith.constant 0 : i32
    %dma_wait3A_53 = tpu.memref_slice %arg9[%dma_wait3A_51, %dma_wait3A_52] : memref<112x256xf32, #tpu.memory_space<vmem>> -> memref<72x256xf32, #tpu.memory_space<vmem>>
    %dma_wait3A_54 = arith.constant 4928 : i32
    %dma_wait3A_55 = tpu.memref_slice %arg7[%dma_wait3A_54] : memref<5000xi32, #tpu.memory_space<vmem>> -> memref<72xi32, #tpu.memory_space<vmem>>
    %dma_wait3A_56 = arith.constant 0 : i32
    %dma_wait3A_57 = arith.constant 0 : i32
    %dma_wait3A_58 = tpu.memref_slice %arg2[%dma_wait3A_56, %dma_wait3A_57] : memref<10000x256xf32, #tpu.memory_space<hbm>> -> memref<10000x256xf32, #tpu.memory_space<hbm>>
    tpu.wait_indirect_dma semaphore(%arg12 : memref<!tpu.dma_semaphore, #tpu.memory_space<semaphore_mem>>) src(%dma_wait3A_58 : memref<10000x256xf32, #tpu.memory_space<hbm>>) dst(%dma_wait3A_53 : memref<72x256xf32, #tpu.memory_space<vmem>>)
    %scan3A_59 = arith.constant 0 : i32
    %scan3A_60 = arith.constant 72 : i32
    %scan3A_61 = arith.addi %scan3A_59, %scan3A_60 : i32
    %scan3A_62 = arith.constant 1 : i32
    scf.for %scan3A_74 = %scan3A_59 to %scan3A_61 step %scan3A_62  : i32 {
      %mul3A_75 = arith.constant 1 : i32
      %mul3A_76 = arith.muli %scan3A_74, %mul3A_75 : i32
      %add3A_77 = arith.constant 0 : i32
      %add3A_78 = arith.addi %add3A_77, %mul3A_76 : i32
      %get3A = arith.index_cast %add3A_78 : i32 to index
      %get3A_79 = arith.constant 0 : index
      %get3A_80 = tpu.vector_load %arg8[%get3A, %get3A_79] {strides = array<i32>} : memref<112x256xf32, #tpu.memory_space<vmem>>, vector<1x16xf32>,
      %get3A_81 = vector.shape_cast %get3A_80 : vector<1x16xf32> to vector<16xf32>
      %get3A_82 = arith.index_cast %add3A_78 : i32 to index
      %get3A_83 = arith.constant 0 : index
      %get3A_84 = tpu.vector_load %arg9[%get3A_82, %get3A_83] {strides = array<i32>} : memref<112x256xf32, #tpu.memory_space<vmem>>, vector<1x16xf32>,
      %get3A_85 = vector.shape_cast %get3A_84 : vector<1x16xf32> to vector<16xf32>
      %add3A_86 = arith.addf %get3A_81, %get3A_85 : vector<16xf32>
      %mul3A_87 = arith.constant 5.000000e-01 : f32
      %mul3A_88 = vector.broadcast %mul3A_87 : f32 to vector<16xf32>
      %mul3A_89 = arith.mulf %add3A_86, %mul3A_88 : vector<16xf32>
      %swap3A = arith.index_cast %add3A_78 : i32 to index
      %swap3A_90 = arith.constant 0 : index
      %swap3A_91 = tpu.vector_load %arg8[%swap3A, %swap3A_90] {strides = array<i32>} : memref<112x256xf32, #tpu.memory_space<vmem>>, vector<1x16xf32>,
      %swap3A_92 = vector.shape_cast %swap3A_91 : vector<1x16xf32> to vector<16xf32>
      %swap3A_93 = vector.shape_cast %mul3A_89 : vector<16xf32> to vector<1x16xf32>
      tpu.vector_store %arg8[%swap3A, %swap3A_90], %swap3A_93 {strides = array<i32>} : memref<112x256xf32, #tpu.memory_space<vmem>>, vector<1x16xf32>,
      %get3A_94 = arith.index_cast %add3A_78 : i32 to index
      %get3A_95 = arith.constant 16 : index
      %get3A_96 = tpu.vector_load %arg8[%get3A_94, %get3A_95] {strides = array<i32>} : memref<112x256xf32, #tpu.memory_space<vmem>>, vector<1x16xf32>,
      %get3A_97 = vector.shape_cast %get3A_96 : vector<1x16xf32> to vector<16xf32>
      %get3A_98 = arith.index_cast %add3A_78 : i32 to index
      %get3A_99 = arith.constant 16 : index
      %get3A_100 = tpu.vector_load %arg9[%get3A_98, %get3A_99] {strides = array<i32>} : memref<112x256xf32, #tpu.memory_space<vmem>>, vector<1x16xf32>,
      %get3A_101 = vector.shape_cast %get3A_100 : vector<1x16xf32> to vector<16xf32>
      %add3A_102 = arith.addf %get3A_97, %get3A_101 : vector<16xf32>
      %mul3A_103 = arith.constant 5.000000e-01 : f32
      %mul3A_104 = vector.broadcast %mul3A_103 : f32 to vector<16xf32>
      %mul3A_105 = arith.mulf %add3A_102, %mul3A_104 : vector<16xf32>
      %swap3A_106 = arith.index_cast %add3A_78 : i32 to index
      %swap3A_107 = arith.constant 16 : index
      %swap3A_108 = tpu.vector_load %arg8[%swap3A_106, %swap3A_107] {strides = array<i32>} : memref<112x256xf32, #tpu.memory_space<vmem>>, vector<1x16xf32>,
      %swap3A_109 = vector.shape_cast %swap3A_108 : vector<1x16xf32> to vector<16xf32>
      %swap3A_110 = vector.shape_cast %mul3A_105 : vector<16xf32> to vector<1x16xf32>
      tpu.vector_store %arg8[%swap3A_106, %swap3A_107], %swap3A_110 {strides = array<i32>} : memref<112x256xf32, #tpu.memory_space<vmem>>, vector<1x16xf32>,
      %get3A_111 = arith.index_cast %add3A_78 : i32 to index
      %get3A_112 = arith.constant 32 : index
      %get3A_113 = tpu.vector_load %arg8[%get3A_111, %get3A_112] {strides = array<i32>} : memref<112x256xf32, #tpu.memory_space<vmem>>, vector<1x16xf32>,
      %get3A_114 = vector.shape_cast %get3A_113 : vector<1x16xf32> to vector<16xf32>
      %get3A_115 = arith.index_cast %add3A_78 : i32 to index
      %get3A_116 = arith.constant 32 : index
      %get3A_117 = tpu.vector_load %arg9[%get3A_115, %get3A_116] {strides = array<i32>} : memref<112x256xf32, #tpu.memory_space<vmem>>, vector<1x16xf32>,
      %get3A_118 = vector.shape_cast %get3A_117 : vector<1x16xf32> to vector<16xf32>
      %add3A_119 = arith.addf %get3A_114, %get3A_118 : vector<16xf32>
      %mul3A_120 = arith.constant 5.000000e-01 : f32
      %mul3A_121 = vector.broadcast %mul3A_120 : f32 to vector<16xf32>
      %mul3A_122 = arith.mulf %add3A_119, %mul3A_121 : vector<16xf32>
      %swap3A_123 = arith.index_cast %add3A_78 : i32 to index
      %swap3A_124 = arith.constant 32 : index
      %swap3A_125 = tpu.vector_load %arg8[%swap3A_123, %swap3A_124] {strides = array<i32>} : memref<112x256xf32, #tpu.memory_space<vmem>>, vector<1x16xf32>,
      %swap3A_126 = vector.shape_cast %swap3A_125 : vector<1x16xf32> to vector<16xf32>
      %swap3A_127 = vector.shape_cast %mul3A_122 : vector<16xf32> to vector<1x16xf32>
      tpu.vector_store %arg8[%swap3A_123, %swap3A_124], %swap3A_127 {strides = array<i32>} : memref<112x256xf32, #tpu.memory_space<vmem>>, vector<1x16xf32>,
      %get3A_128 = arith.index_cast %add3A_78 : i32 to index
      %get3A_129 = arith.constant 48 : index
      %get3A_130 = tpu.vector_load %arg8[%get3A_128, %get3A_129] {strides = array<i32>} : memref<112x256xf32, #tpu.memory_space<vmem>>, vector<1x16xf32>,
      %get3A_131 = vector.shape_cast %get3A_130 : vector<1x16xf32> to vector<16xf32>
      %get3A_132 = arith.index_cast %add3A_78 : i32 to index
      %get3A_133 = arith.constant 48 : index
      %get3A_134 = tpu.vector_load %arg9[%get3A_132, %get3A_133] {strides = array<i32>} : memref<112x256xf32, #tpu.memory_space<vmem>>, vector<1x16xf32>,
      %get3A_135 = vector.shape_cast %get3A_134 : vector<1x16xf32> to vector<16xf32>
      %add3A_136 = arith.addf %get3A_131, %get3A_135 : vector<16xf32>
      %mul3A_137 = arith.constant 5.000000e-01 : f32
      %mul3A_138 = vector.broadcast %mul3A_137 : f32 to vector<16xf32>
      %mul3A_139 = arith.mulf %add3A_136, %mul3A_138 : vector<16xf32>
      %swap3A_140 = arith.index_cast %add3A_78 : i32 to index
      %swap3A_141 = arith.constant 48 : index
      %swap3A_142 = tpu.vector_load %arg8[%swap3A_140, %swap3A_141] {strides = array<i32>} : memref<112x256xf32, #tpu.memory_space<vmem>>, vector<1x16xf32>,
      %swap3A_143 = vector.shape_cast %swap3A_142 : vector<1x16xf32> to vector<16xf32>
      %swap3A_144 = vector.shape_cast %mul3A_139 : vector<16xf32> to vector<1x16xf32>
      tpu.vector_store %arg8[%swap3A_140, %swap3A_141], %swap3A_144 {strides = array<i32>} : memref<112x256xf32, #tpu.memory_space<vmem>>, vector<1x16xf32>,
      %get3A_145 = arith.index_cast %add3A_78 : i32 to index
      %get3A_146 = arith.constant 64 : index
      %get3A_147 = tpu.vector_load %arg8[%get3A_145, %get3A_146] {strides = array<i32>} : memref<112x256xf32, #tpu.memory_space<vmem>>, vector<1x16xf32>,
      %get3A_148 = vector.shape_cast %get3A_147 : vector<1x16xf32> to vector<16xf32>
      %get3A_149 = arith.index_cast %add3A_78 : i32 to index
      %get3A_150 = arith.constant 64 : index
      %get3A_151 = tpu.vector_load %arg9[%get3A_149, %get3A_150] {strides = array<i32>} : memref<112x256xf32, #tpu.memory_space<vmem>>, vector<1x16xf32>,
      %get3A_152 = vector.shape_cast %get3A_151 : vector<1x16xf32> to vector<16xf32>
      %add3A_153 = arith.addf %get3A_148, %get3A_152 : vector<16xf32>
      %mul3A_154 = arith.constant 5.000000e-01 : f32
      %mul3A_155 = vector.broadcast %mul3A_154 : f32 to vector<16xf32>
      %mul3A_156 = arith.mulf %add3A_153, %mul3A_155 : vector<16xf32>
      %swap3A_157 = arith.index_cast %add3A_78 : i32 to index
      %swap3A_158 = arith.constant 64 : index
      %swap3A_159 = tpu.vector_load %arg8[%swap3A_157, %swap3A_158] {strides = array<i32>} : memref<112x256xf32, #tpu.memory_space<vmem>>, vector<1x16xf32>,
      %swap3A_160 = vector.shape_cast %swap3A_159 : vector<1x16xf32> to vector<16xf32>
      %swap3A_161 = vector.shape_cast %mul3A_156 : vector<16xf32> to vector<1x16xf32>
      tpu.vector_store %arg8[%swap3A_157, %swap3A_158], %swap3A_161 {strides = array<i32>} : memref<112x256xf32, #tpu.memory_space<vmem>>, vector<1x16xf32>,
      %get3A_162 = arith.index_cast %add3A_78 : i32 to index
      %get3A_163 = arith.constant 80 : index
      %get3A_164 = tpu.vector_load %arg8[%get3A_162, %get3A_163] {strides = array<i32>} : memref<112x256xf32, #tpu.memory_space<vmem>>, vector<1x16xf32>,
      %get3A_165 = vector.shape_cast %get3A_164 : vector<1x16xf32> to vector<16xf32>
      %get3A_166 = arith.index_cast %add3A_78 : i32 to index
      %get3A_167 = arith.constant 80 : index
      %get3A_168 = tpu.vector_load %arg9[%get3A_166, %get3A_167] {strides = array<i32>} : memref<112x256xf32, #tpu.memory_space<vmem>>, vector<1x16xf32>,
      %get3A_169 = vector.shape_cast %get3A_168 : vector<1x16xf32> to vector<16xf32>
      %add3A_170 = arith.addf %get3A_165, %get3A_169 : vector<16xf32>
      %mul3A_171 = arith.constant 5.000000e-01 : f32
      %mul3A_172 = vector.broadcast %mul3A_171 : f32 to vector<16xf32>
      %mul3A_173 = arith.mulf %add3A_170, %mul3A_172 : vector<16xf32>
      %swap3A_174 = arith.index_cast %add3A_78 : i32 to index
      %swap3A_175 = arith.constant 80 : index
      %swap3A_176 = tpu.vector_load %arg8[%swap3A_174, %swap3A_175] {strides = array<i32>} : memref<112x256xf32, #tpu.memory_space<vmem>>, vector<1x16xf32>,
      %swap3A_177 = vector.shape_cast %swap3A_176 : vector<1x16xf32> to vector<16xf32>
      %swap3A_178 = vector.shape_cast %mul3A_173 : vector<16xf32> to vector<1x16xf32>
      tpu.vector_store %arg8[%swap3A_174, %swap3A_175], %swap3A_178 {strides = array<i32>} : memref<112x256xf32, #tpu.memory_space<vmem>>, vector<1x16xf32>,
      %get3A_179 = arith.index_cast %add3A_78 : i32 to index
      %get3A_180 = arith.constant 96 : index
      %get3A_181 = tpu.vector_load %arg8[%get3A_179, %get3A_180] {strides = array<i32>} : memref<112x256xf32, #tpu.memory_space<vmem>>, vector<1x16xf32>,
      %get3A_182 = vector.shape_cast %get3A_181 : vector<1x16xf32> to vector<16xf32>
      %get3A_183 = arith.index_cast %add3A_78 : i32 to index
      %get3A_184 = arith.constant 96 : index
      %get3A_185 = tpu.vector_load %arg9[%get3A_183, %get3A_184] {strides = array<i32>} : memref<112x256xf32, #tpu.memory_space<vmem>>, vector<1x16xf32>,
      %get3A_186 = vector.shape_cast %get3A_185 : vector<1x16xf32> to vector<16xf32>
      %add3A_187 = arith.addf %get3A_182, %get3A_186 : vector<16xf32>
      %mul3A_188 = arith.constant 5.000000e-01 : f32
      %mul3A_189 = vector.broadcast %mul3A_188 : f32 to vector<16xf32>
      %mul3A_190 = arith.mulf %add3A_187, %mul3A_189 : vector<16xf32>
      %swap3A_191 = arith.index_cast %add3A_78 : i32 to index
      %swap3A_192 = arith.constant 96 : index
      %swap3A_193 = tpu.vector_load %arg8[%swap3A_191, %swap3A_192] {strides = array<i32>} : memref<112x256xf32, #tpu.memory_space<vmem>>, vector<1x16xf32>,
      %swap3A_194 = vector.shape_cast %swap3A_193 : vector<1x16xf32> to vector<16xf32>
      %swap3A_195 = vector.shape_cast %mul3A_190 : vector<16xf32> to vector<1x16xf32>
      tpu.vector_store %arg8[%swap3A_191, %swap3A_192], %swap3A_195 {strides = array<i32>} : memref<112x256xf32, #tpu.memory_space<vmem>>, vector<1x16xf32>,
      %get3A_196 = arith.index_cast %add3A_78 : i32 to index
      %get3A_197 = arith.constant 112 : index
      %get3A_198 = tpu.vector_load %arg8[%get3A_196, %get3A_197] {strides = array<i32>} : memref<112x256xf32, #tpu.memory_space<vmem>>, vector<1x16xf32>,
      %get3A_199 = vector.shape_cast %get3A_198 : vector<1x16xf32> to vector<16xf32>
      %get3A_200 = arith.index_cast %add3A_78 : i32 to index
      %get3A_201 = arith.constant 112 : index
      %get3A_202 = tpu.vector_load %arg9[%get3A_200, %get3A_201] {strides = array<i32>} : memref<112x256xf32, #tpu.memory_space<vmem>>, vector<1x16xf32>,
      %get3A_203 = vector.shape_cast %get3A_202 : vector<1x16xf32> to vector<16xf32>
      %add3A_204 = arith.addf %get3A_199, %get3A_203 : vector<16xf32>
      %mul3A_205 = arith.constant 5.000000e-01 : f32
      %mul3A_206 = vector.broadcast %mul3A_205 : f32 to vector<16xf32>
      %mul3A_207 = arith.mulf %add3A_204, %mul3A_206 : vector<16xf32>
      %swap3A_208 = arith.index_cast %add3A_78 : i32 to index
      %swap3A_209 = arith.constant 112 : index
      %swap3A_210 = tpu.vector_load %arg8[%swap3A_208, %swap3A_209] {strides = array<i32>} : memref<112x256xf32, #tpu.memory_space<vmem>>, vector<1x16xf32>,
      %swap3A_211 = vector.shape_cast %swap3A_210 : vector<1x16xf32> to vector<16xf32>
      %swap3A_212 = vector.shape_cast %mul3A_207 : vector<16xf32> to vector<1x16xf32>
      tpu.vector_store %arg8[%swap3A_208, %swap3A_209], %swap3A_212 {strides = array<i32>} : memref<112x256xf32, #tpu.memory_space<vmem>>, vector<1x16xf32>,
      %get3A_213 = arith.index_cast %add3A_78 : i32 to index
      %get3A_214 = arith.constant 128 : index
      %get3A_215 = tpu.vector_load %arg8[%get3A_213, %get3A_214] {strides = array<i32>} : memref<112x256xf32, #tpu.memory_space<vmem>>, vector<1x16xf32>,
      %get3A_216 = vector.shape_cast %get3A_215 : vector<1x16xf32> to vector<16xf32>
      %get3A_217 = arith.index_cast %add3A_78 : i32 to index
      %get3A_218 = arith.constant 128 : index
      %get3A_219 = tpu.vector_load %arg9[%get3A_217, %get3A_218] {strides = array<i32>} : memref<112x256xf32, #tpu.memory_space<vmem>>, vector<1x16xf32>,
      %get3A_220 = vector.shape_cast %get3A_219 : vector<1x16xf32> to vector<16xf32>
      %add3A_221 = arith.addf %get3A_216, %get3A_220 : vector<16xf32>
      %mul3A_222 = arith.constant 5.000000e-01 : f32
      %mul3A_223 = vector.broadcast %mul3A_222 : f32 to vector<16xf32>
      %mul3A_224 = arith.mulf %add3A_221, %mul3A_223 : vector<16xf32>
      %swap3A_225 = arith.index_cast %add3A_78 : i32 to index
      %swap3A_226 = arith.constant 128 : index
      %swap3A_227 = tpu.vector_load %arg8[%swap3A_225, %swap3A_226] {strides = array<i32>} : memref<112x256xf32, #tpu.memory_space<vmem>>, vector<1x16xf32>,
      %swap3A_228 = vector.shape_cast %swap3A_227 : vector<1x16xf32> to vector<16xf32>
      %swap3A_229 = vector.shape_cast %mul3A_224 : vector<16xf32> to vector<1x16xf32>
      tpu.vector_store %arg8[%swap3A_225, %swap3A_226], %swap3A_229 {strides = array<i32>} : memref<112x256xf32, #tpu.memory_space<vmem>>, vector<1x16xf32>,
      %get3A_230 = arith.index_cast %add3A_78 : i32 to index
      %get3A_231 = arith.constant 144 : index
      %get3A_232 = tpu.vector_load %arg8[%get3A_230, %get3A_231] {strides = array<i32>} : memref<112x256xf32, #tpu.memory_space<vmem>>, vector<1x16xf32>,
      %get3A_233 = vector.shape_cast %get3A_232 : vector<1x16xf32> to vector<16xf32>
      %get3A_234 = arith.index_cast %add3A_78 : i32 to index
      %get3A_235 = arith.constant 144 : index
      %get3A_236 = tpu.vector_load %arg9[%get3A_234, %get3A_235] {strides = array<i32>} : memref<112x256xf32, #tpu.memory_space<vmem>>, vector<1x16xf32>,
      %get3A_237 = vector.shape_cast %get3A_236 : vector<1x16xf32> to vector<16xf32>
      %add3A_238 = arith.addf %get3A_233, %get3A_237 : vector<16xf32>
      %mul3A_239 = arith.constant 5.000000e-01 : f32
      %mul3A_240 = vector.broadcast %mul3A_239 : f32 to vector<16xf32>
      %mul3A_241 = arith.mulf %add3A_238, %mul3A_240 : vector<16xf32>
      %swap3A_242 = arith.index_cast %add3A_78 : i32 to index
      %swap3A_243 = arith.constant 144 : index
      %swap3A_244 = tpu.vector_load %arg8[%swap3A_242, %swap3A_243] {strides = array<i32>} : memref<112x256xf32, #tpu.memory_space<vmem>>, vector<1x16xf32>,
      %swap3A_245 = vector.shape_cast %swap3A_244 : vector<1x16xf32> to vector<16xf32>
      %swap3A_246 = vector.shape_cast %mul3A_241 : vector<16xf32> to vector<1x16xf32>
      tpu.vector_store %arg8[%swap3A_242, %swap3A_243], %swap3A_246 {strides = array<i32>} : memref<112x256xf32, #tpu.memory_space<vmem>>, vector<1x16xf32>,
      %get3A_247 = arith.index_cast %add3A_78 : i32 to index
      %get3A_248 = arith.constant 160 : index
      %get3A_249 = tpu.vector_load %arg8[%get3A_247, %get3A_248] {strides = array<i32>} : memref<112x256xf32, #tpu.memory_space<vmem>>, vector<1x16xf32>,
      %get3A_250 = vector.shape_cast %get3A_249 : vector<1x16xf32> to vector<16xf32>
      %get3A_251 = arith.index_cast %add3A_78 : i32 to index
      %get3A_252 = arith.constant 160 : index
      %get3A_253 = tpu.vector_load %arg9[%get3A_251, %get3A_252] {strides = array<i32>} : memref<112x256xf32, #tpu.memory_space<vmem>>, vector<1x16xf32>,
      %get3A_254 = vector.shape_cast %get3A_253 : vector<1x16xf32> to vector<16xf32>
      %add3A_255 = arith.addf %get3A_250, %get3A_254 : vector<16xf32>
      %mul3A_256 = arith.constant 5.000000e-01 : f32
      %mul3A_257 = vector.broadcast %mul3A_256 : f32 to vector<16xf32>
      %mul3A_258 = arith.mulf %add3A_255, %mul3A_257 : vector<16xf32>
      %swap3A_259 = arith.index_cast %add3A_78 : i32 to index
      %swap3A_260 = arith.constant 160 : index
      %swap3A_261 = tpu.vector_load %arg8[%swap3A_259, %swap3A_260] {strides = array<i32>} : memref<112x256xf32, #tpu.memory_space<vmem>>, vector<1x16xf32>,
      %swap3A_262 = vector.shape_cast %swap3A_261 : vector<1x16xf32> to vector<16xf32>
      %swap3A_263 = vector.shape_cast %mul3A_258 : vector<16xf32> to vector<1x16xf32>
      tpu.vector_store %arg8[%swap3A_259, %swap3A_260], %swap3A_263 {strides = array<i32>} : memref<112x256xf32, #tpu.memory_space<vmem>>, vector<1x16xf32>,
      %get3A_264 = arith.index_cast %add3A_78 : i32 to index
      %get3A_265 = arith.constant 176 : index
      %get3A_266 = tpu.vector_load %arg8[%get3A_264, %get3A_265] {strides = array<i32>} : memref<112x256xf32, #tpu.memory_space<vmem>>, vector<1x16xf32>,
      %get3A_267 = vector.shape_cast %get3A_266 : vector<1x16xf32> to vector<16xf32>
      %get3A_268 = arith.index_cast %add3A_78 : i32 to index
      %get3A_269 = arith.constant 176 : index
      %get3A_270 = tpu.vector_load %arg9[%get3A_268, %get3A_269] {strides = array<i32>} : memref<112x256xf32, #tpu.memory_space<vmem>>, vector<1x16xf32>,
      %get3A_271 = vector.shape_cast %get3A_270 : vector<1x16xf32> to vector<16xf32>
      %add3A_272 = arith.addf %get3A_267, %get3A_271 : vector<16xf32>
      %mul3A_273 = arith.constant 5.000000e-01 : f32
      %mul3A_274 = vector.broadcast %mul3A_273 : f32 to vector<16xf32>
      %mul3A_275 = arith.mulf %add3A_272, %mul3A_274 : vector<16xf32>
      %swap3A_276 = arith.index_cast %add3A_78 : i32 to index
      %swap3A_277 = arith.constant 176 : index
      %swap3A_278 = tpu.vector_load %arg8[%swap3A_276, %swap3A_277] {strides = array<i32>} : memref<112x256xf32, #tpu.memory_space<vmem>>, vector<1x16xf32>,
      %swap3A_279 = vector.shape_cast %swap3A_278 : vector<1x16xf32> to vector<16xf32>
      %swap3A_280 = vector.shape_cast %mul3A_275 : vector<16xf32> to vector<1x16xf32>
      tpu.vector_store %arg8[%swap3A_276, %swap3A_277], %swap3A_280 {strides = array<i32>} : memref<112x256xf32, #tpu.memory_space<vmem>>, vector<1x16xf32>,
      %get3A_281 = arith.index_cast %add3A_78 : i32 to index
      %get3A_282 = arith.constant 192 : index
      %get3A_283 = tpu.vector_load %arg8[%get3A_281, %get3A_282] {strides = array<i32>} : memref<112x256xf32, #tpu.memory_space<vmem>>, vector<1x16xf32>,
      %get3A_284 = vector.shape_cast %get3A_283 : vector<1x16xf32> to vector<16xf32>
      %get3A_285 = arith.index_cast %add3A_78 : i32 to index
      %get3A_286 = arith.constant 192 : index
      %get3A_287 = tpu.vector_load %arg9[%get3A_285, %get3A_286] {strides = array<i32>} : memref<112x256xf32, #tpu.memory_space<vmem>>, vector<1x16xf32>,
      %get3A_288 = vector.shape_cast %get3A_287 : vector<1x16xf32> to vector<16xf32>
      %add3A_289 = arith.addf %get3A_284, %get3A_288 : vector<16xf32>
      %mul3A_290 = arith.constant 5.000000e-01 : f32
      %mul3A_291 = vector.broadcast %mul3A_290 : f32 to vector<16xf32>
      %mul3A_292 = arith.mulf %add3A_289, %mul3A_291 : vector<16xf32>
      %swap3A_293 = arith.index_cast %add3A_78 : i32 to index
      %swap3A_294 = arith.constant 192 : index
      %swap3A_295 = tpu.vector_load %arg8[%swap3A_293, %swap3A_294] {strides = array<i32>} : memref<112x256xf32, #tpu.memory_space<vmem>>, vector<1x16xf32>,
      %swap3A_296 = vector.shape_cast %swap3A_295 : vector<1x16xf32> to vector<16xf32>
      %swap3A_297 = vector.shape_cast %mul3A_292 : vector<16xf32> to vector<1x16xf32>
      tpu.vector_store %arg8[%swap3A_293, %swap3A_294], %swap3A_297 {strides = array<i32>} : memref<112x256xf32, #tpu.memory_space<vmem>>, vector<1x16xf32>,
      %get3A_298 = arith.index_cast %add3A_78 : i32 to index
      %get3A_299 = arith.constant 208 : index
      %get3A_300 = tpu.vector_load %arg8[%get3A_298, %get3A_299] {strides = array<i32>} : memref<112x256xf32, #tpu.memory_space<vmem>>, vector<1x16xf32>,
      %get3A_301 = vector.shape_cast %get3A_300 : vector<1x16xf32> to vector<16xf32>
      %get3A_302 = arith.index_cast %add3A_78 : i32 to index
      %get3A_303 = arith.constant 208 : index
      %get3A_304 = tpu.vector_load %arg9[%get3A_302, %get3A_303] {strides = array<i32>} : memref<112x256xf32, #tpu.memory_space<vmem>>, vector<1x16xf32>,
      %get3A_305 = vector.shape_cast %get3A_304 : vector<1x16xf32> to vector<16xf32>
      %add3A_306 = arith.addf %get3A_301, %get3A_305 : vector<16xf32>
      %mul3A_307 = arith.constant 5.000000e-01 : f32
      %mul3A_308 = vector.broadcast %mul3A_307 : f32 to vector<16xf32>
      %mul3A_309 = arith.mulf %add3A_306, %mul3A_308 : vector<16xf32>
      %swap3A_310 = arith.index_cast %add3A_78 : i32 to index
      %swap3A_311 = arith.constant 208 : index
      %swap3A_312 = tpu.vector_load %arg8[%swap3A_310, %swap3A_311] {strides = array<i32>} : memref<112x256xf32, #tpu.memory_space<vmem>>, vector<1x16xf32>,
      %swap3A_313 = vector.shape_cast %swap3A_312 : vector<1x16xf32> to vector<16xf32>
      %swap3A_314 = vector.shape_cast %mul3A_309 : vector<16xf32> to vector<1x16xf32>
      tpu.vector_store %arg8[%swap3A_310, %swap3A_311], %swap3A_314 {strides = array<i32>} : memref<112x256xf32, #tpu.memory_space<vmem>>, vector<1x16xf32>,
      %get3A_315 = arith.index_cast %add3A_78 : i32 to index
      %get3A_316 = arith.constant 224 : index
      %get3A_317 = tpu.vector_load %arg8[%get3A_315, %get3A_316] {strides = array<i32>} : memref<112x256xf32, #tpu.memory_space<vmem>>, vector<1x16xf32>,
      %get3A_318 = vector.shape_cast %get3A_317 : vector<1x16xf32> to vector<16xf32>
      %get3A_319 = arith.index_cast %add3A_78 : i32 to index
      %get3A_320 = arith.constant 224 : index
      %get3A_321 = tpu.vector_load %arg9[%get3A_319, %get3A_320] {strides = array<i32>} : memref<112x256xf32, #tpu.memory_space<vmem>>, vector<1x16xf32>,
      %get3A_322 = vector.shape_cast %get3A_321 : vector<1x16xf32> to vector<16xf32>
      %add3A_323 = arith.addf %get3A_318, %get3A_322 : vector<16xf32>
      %mul3A_324 = arith.constant 5.000000e-01 : f32
      %mul3A_325 = vector.broadcast %mul3A_324 : f32 to vector<16xf32>
      %mul3A_326 = arith.mulf %add3A_323, %mul3A_325 : vector<16xf32>
      %swap3A_327 = arith.index_cast %add3A_78 : i32 to index
      %swap3A_328 = arith.constant 224 : index
      %swap3A_329 = tpu.vector_load %arg8[%swap3A_327, %swap3A_328] {strides = array<i32>} : memref<112x256xf32, #tpu.memory_space<vmem>>, vector<1x16xf32>,
      %swap3A_330 = vector.shape_cast %swap3A_329 : vector<1x16xf32> to vector<16xf32>
      %swap3A_331 = vector.shape_cast %mul3A_326 : vector<16xf32> to vector<1x16xf32>
      tpu.vector_store %arg8[%swap3A_327, %swap3A_328], %swap3A_331 {strides = array<i32>} : memref<112x256xf32, #tpu.memory_space<vmem>>, vector<1x16xf32>,
      %get3A_332 = arith.index_cast %add3A_78 : i32 to index
      %get3A_333 = arith.constant 240 : index
      %get3A_334 = tpu.vector_load %arg8[%get3A_332, %get3A_333] {strides = array<i32>} : memref<112x256xf32, #tpu.memory_space<vmem>>, vector<1x16xf32>,
      %get3A_335 = vector.shape_cast %get3A_334 : vector<1x16xf32> to vector<16xf32>
      %get3A_336 = arith.index_cast %add3A_78 : i32 to index
      %get3A_337 = arith.constant 240 : index
      %get3A_338 = tpu.vector_load %arg9[%get3A_336, %get3A_337] {strides = array<i32>} : memref<112x256xf32, #tpu.memory_space<vmem>>, vector<1x16xf32>,
      %get3A_339 = vector.shape_cast %get3A_338 : vector<1x16xf32> to vector<16xf32>
      %add3A_340 = arith.addf %get3A_335, %get3A_339 : vector<16xf32>
      %mul3A_341 = arith.constant 5.000000e-01 : f32
      %mul3A_342 = vector.broadcast %mul3A_341 : f32 to vector<16xf32>
      %mul3A_343 = arith.mulf %add3A_340, %mul3A_342 : vector<16xf32>
      %swap3A_344 = arith.index_cast %add3A_78 : i32 to index
      %swap3A_345 = arith.constant 240 : index
      %swap3A_346 = tpu.vector_load %arg8[%swap3A_344, %swap3A_345] {strides = array<i32>} : memref<112x256xf32, #tpu.memory_space<vmem>>, vector<1x16xf32>,
      %swap3A_347 = vector.shape_cast %swap3A_346 : vector<1x16xf32> to vector<16xf32>
      %swap3A_348 = vector.shape_cast %mul3A_343 : vector<16xf32> to vector<1x16xf32>
      tpu.vector_store %arg8[%swap3A_344, %swap3A_345], %swap3A_348 {strides = array<i32>} : memref<112x256xf32, #tpu.memory_space<vmem>>, vector<1x16xf32>,
    }
    %scan3A_63 = arith.constant 72 : i32
    %add3A_64 = arith.constant 10000 : i32
    %add3A_65 = arith.addi %add3A_64, %mul3A_2 : i32
    %add3A_66 = arith.constant 4928 : i32
    %add3A_67 = arith.addi %add3A_65, %add3A_66 : i32
    "tpu.region"() ({
      %run_scoped3A = tpu.sem_alloc : memref<!tpu.dma_semaphore, #tpu.memory_space<semaphore_mem>>
      %dma_start3A_74 = arith.constant 0 : i32
      %dma_start3A_75 = arith.constant 0 : i32
      %dma_start3A_76 = tpu.memref_slice %arg8[%dma_start3A_74, %dma_start3A_75] : memref<112x256xf32, #tpu.memory_space<vmem>> -> memref<72x256xf32, #tpu.memory_space<vmem>>
      %dma_start3A_77 = arith.constant 0 : i32
      %dma_start3A_78 = tpu.memref_slice %arg5[%add3A_67, %dma_start3A_77] : memref<170000x256xf32, #tpu.memory_space<hbm>> -> memref<72x256xf32, #tpu.memory_space<hbm>>
      %dma_start3A_79 = arith.constant 0 : i32
      %dma_start3A_80 = tpu.memref_slice %arg5[%add3A_67, %dma_start3A_79] : memref<170000x256xf32, #tpu.memory_space<hbm>> -> memref<72x256xf32, #tpu.memory_space<hbm>>
      %dma_start3A_81 = arith.constant 0 : i32
      %dma_start3A_82 = arith.constant 0 : i32
      %dma_start3A_83 = tpu.memref_slice %arg8[%dma_start3A_81, %dma_start3A_82] : memref<112x256xf32, #tpu.memory_space<vmem>> -> memref<72x256xf32, #tpu.memory_space<vmem>>
      tpu.enqueue_dma source(%dma_start3A_83 : memref<72x256xf32, #tpu.memory_space<vmem>>) target(%dma_start3A_80 : memref<72x256xf32, #tpu.memory_space<hbm>>) target_semaphore(%run_scoped3A : memref<!tpu.dma_semaphore, #tpu.memory_space<semaphore_mem>>)
      %dma_wait3A_84 = arith.constant 0 : i32
      %dma_wait3A_85 = arith.constant 0 : i32
      %dma_wait3A_86 = tpu.memref_slice %arg8[%dma_wait3A_84, %dma_wait3A_85] : memref<112x256xf32, #tpu.memory_space<vmem>> -> memref<72x256xf32, #tpu.memory_space<vmem>>
      %dma_wait3A_87 = arith.constant 0 : i32
      %dma_wait3A_88 = tpu.memref_slice %arg5[%add3A_67, %dma_wait3A_87] : memref<170000x256xf32, #tpu.memory_space<hbm>> -> memref<72x256xf32, #tpu.memory_space<hbm>>
      %dma_wait3A_89 = arith.constant 0 : i32
      %dma_wait3A_90 = tpu.memref_slice %arg5[%add3A_67, %dma_wait3A_89] : memref<170000x256xf32, #tpu.memory_space<hbm>> -> memref<72x256xf32, #tpu.memory_space<hbm>>
      %dma_wait3A_91 = arith.constant 0 : i32
      %dma_wait3A_92 = arith.constant 0 : i32
      %dma_wait3A_93 = tpu.memref_slice %arg8[%dma_wait3A_91, %dma_wait3A_92] : memref<112x256xf32, #tpu.memory_space<vmem>> -> memref<72x256xf32, #tpu.memory_space<vmem>>
      tpu.wait_dma2 semaphore(%run_scoped3A : memref<!tpu.dma_semaphore, #tpu.memory_space<semaphore_mem>>) src(%dma_wait3A_93 : memref<72x256xf32, #tpu.memory_space<vmem>>) dst(%dma_wait3A_90 : memref<72x256xf32, #tpu.memory_space<hbm>>)
      tpu.yield
    }) : () -> ()
    %lt3A = arith.constant 16 : i32
    %lt3A_68 = arith.cmpi slt, %add3A, %lt3A : i32
    %convert_element_type3A = arith.extui %lt3A_68 : i1 to i32
    %cond3A = arith.constant 0 : i32
    %cond3A_69 = arith.cmpi ne, %convert_element_type3A, %cond3A : i32
    scf.if %cond3A_69 {
      %add3A_74 = arith.constant 9984 : i32
      %add3A_75 = arith.addi %add3A_74, %add3A : i32
      %add3A_76 = arith.constant 9984 : i32
      %add3A_77 = arith.addi %add3A_76, %add3A : i32
      "tpu.region"() ({
        %run_scoped3A = tpu.sem_alloc : memref<!tpu.dma_semaphore, #tpu.memory_space<semaphore_mem>>
        %dma_start3A_78 = arith.constant 0 : i32
        %dma_start3A_79 = tpu.memref_slice %arg5[%add3A_77, %dma_start3A_78] : memref<170000x256xf32, #tpu.memory_space<hbm>> -> memref<1x256xf32, #tpu.memory_space<hbm>>
        %dma_start3A_80 = arith.constant 0 : i32
        %dma_start3A_81 = tpu.memref_slice %arg2[%add3A_75, %dma_start3A_80] : memref<10000x256xf32, #tpu.memory_space<hbm>> -> memref<1x256xf32, #tpu.memory_space<hbm>>
        tpu.enqueue_dma source(%dma_start3A_81 : memref<1x256xf32, #tpu.memory_space<hbm>>) target(%dma_start3A_79 : memref<1x256xf32, #tpu.memory_space<hbm>>) target_semaphore(%run_scoped3A : memref<!tpu.dma_semaphore, #tpu.memory_space<semaphore_mem>>)
        %dma_wait3A_82 = arith.constant 0 : i32
        %dma_wait3A_83 = tpu.memref_slice %arg5[%add3A_77, %dma_wait3A_82] : memref<170000x256xf32, #tpu.memory_space<hbm>> -> memref<1x256xf32, #tpu.memory_space<hbm>>
        %dma_wait3A_84 = arith.constant 0 : i32
        %dma_wait3A_85 = tpu.memref_slice %arg2[%add3A_75, %dma_wait3A_84] : memref<10000x256xf32, #tpu.memory_space<hbm>> -> memref<1x256xf32, #tpu.memory_space<hbm>>
        tpu.wait_dma2 semaphore(%run_scoped3A : memref<!tpu.dma_semaphore, #tpu.memory_space<semaphore_mem>>) src(%dma_wait3A_85 : memref<1x256xf32, #tpu.memory_space<hbm>>) dst(%dma_wait3A_83 : memref<1x256xf32, #tpu.memory_space<hbm>>)
        tpu.yield
      }) : () -> ()
    } else {
    }
    %dma_wait3A_70 = arith.constant 0 : i32
    %dma_wait3A_71 = tpu.memref_slice %arg5[%mul3A_4, %dma_wait3A_70] : memref<170000x256xf32, #tpu.memory_space<hbm>> -> memref<312x256xf32, #tpu.memory_space<hbm>>
    %dma_wait3A_72 = arith.constant 0 : i32
    %dma_wait3A_73 = tpu.memref_slice %arg2[%mul3A_4, %dma_wait3A_72] : memref<10000x256xf32, #tpu.memory_space<hbm>> -> memref<312x256xf32, #tpu.memory_space<hbm>>
    tpu.wait_dma2 semaphore(%arg16 : memref<!tpu.dma_semaphore, #tpu.memory_space<semaphore_mem>>) src(%dma_wait3A_73 : memref<312x256xf32, #tpu.memory_space<hbm>>) dst(%dma_wait3A_71 : memref<312x256xf32, #tpu.memory_space<hbm>>)
    return
  }
}

</mosaic_0001>

<sc_bundles>
// kernel: kernel.3.cloned.1.call-start
scs
__scs_entry_jumppad:
0x0: {  	(pc) =	sbr.rel $0x88, $3  }
0x1: {  	(tag) =	ssettag $0x0;
	lr =	simm.s32 $0x1  }
0x2: {  	[smem:$0x3F9F] =	sst lr;
	_ =	strace $0xD0000000  }
0x3: {  	_ = 	snop  }
0x4: {  	_ = 	snop  }
0x5: {  	_ = 	snop  }
0x6: {  	_ = 	snop  }
0x7: {  	_ = 	snop  }
__scs_overlays_trampoline_lowered:
0x8: {  	[smem:$0x3FAE] =	sst s0  }
0x9: {  	[smem:$0x3FAF] =	sst s1  }
0xa: {  	[smem:$0x3FB0] =	sst s2  }
0xb: {  	[smem:$0x3FB1] =	sst s3  }
0xc: {  	[smem:$0x3FB2] =	sst s4  }
0xd: {  	[smem:$0x3FB3] =	sst s5  }
0xe: {  	[smem:$0x3FB4] =	sst s6  }
0xf: {  	[smem:$0x3FB5] =	sst s7  }
0x10: {  	[smem:$0x3FB6] =	sst s8  }
0x11: {  	[smem:$0x3FB7] =	sst s9;
	s0 =	simm.s32 @!p0 $0x0  }
0x12: {  	s1 =	sld [smem:$0x3F9D];
	s0 =	simm.s32 @p0 $0x1  }
0x13: {  	[smem:$0x3FB8] =	sst s0;
	s0 =	simm.s32 @!p1 $0x0  }
0x14: {  	s2 =	sld [smem:$0x3F9C];
	s0 =	simm.s32 @p1 $0x1  }
0x15: {  	[smem:$0x3FB9] =	sst s0;
	s0 =	simm.s32 @!p2 $0x0  }
0x16: {  	s3 =	sld [smem:$0x3FDB];
	s0 =	simm.s32 @p2 $0x1  }
0x17: {  	s4 =	simm.s32 $0x1BF5;
	[smem:$0x3FBB] =	sst s0  }
0x18: {  	s0 =	sld [smem:$0x3F9E];
	_ =	swait.ge [sflag:s4], $0x0  }
0x19: {  	s7 =	sld [smem:$0x3F9F]  }
0x1a: {  	s8 =	sadd.s32 $0xFFFFE003, lr  }
0x1b: {  	s9 =	sadd.s32 $0xFFFFFEF7, lr;
	s5 =	simm.s32 $0xFFFFFFFF;
	p2 =	slt.u32 s8, $0xFFFFF086  }
0x1c: {  	p1 =	slt.u32 s9, $0xF7A;
	s5 =	simm.s32 @!p2 $0x0  }
0x1d: {  	s5 =	simm.s32 @p1 $0x1;
	p0 =	seq.s32 s7, s2  }
0x1e: {  	s7 =	smul.u32 @!p0 $0xF7A, s2;
	p2 =	seq.s32 @!p0 s5, $0x0  }
0x1f: {  	s9 =	smul.u32 $0xF7A, s1;
	s8 =	simm.s32 @!p0 $0x1BF5;
	p2 =	por !p2, p0  }
0x20: {  	[sflag:s8] =	ssyncset.s32 @!p0 $0xFFFFF086;
	s6 =	sadd.s32 @!p0 s3, s7;
	s7 =	simm.s32 @!p0 $0x108  }
0x21: {  	s3 =	sadd.s32 s3, s9;
	s6 =	sadd.s32 @!p0 $0x88, s6;
	s7 =	simm.s32 @p2 $0x1082  }
0x22: {  	[simem:s7], [sflag:s8] =	dma.local @!p0 [hbm:s6], $0xF7A  }
0x23: {  	s9 =	sor.u32 $0xD0000000, s2;
	s6 =	simm.s32 $0x108;
	_ =	swait.ge @!p0 [sflag:s8], $0x0  }
0x24: {  	s3 =	sadd.s32 $0x88, s3;
	s6 =	simm.s32 @!p1 $0x1082;
	[sflag:s4] =	ssyncset.s32 $0xFFFFF086  }
0x25: {  	[simem:s6], [sflag:s4] =	dma.local [hbm:s3], $0xF7A  }
0x26: {  	[smem:$0x3F9F] =	sst s1;
	(tag) =	ssettag s2;
	_ =	strace s9  }
0x27: {  	s1 =	sld [smem:$0x3FAF]  }
0x28: {  	s2 =	sld [smem:$0x3FB0]  }
0x29: {  	s4 =	sld [smem:$0x3FB2]  }
0x2a: {  	p0 =	seq.s32 s5, $0x0;
	s5 =	sld [smem:$0x3FB3]  }
0x2b: {  	s6 =	sld [smem:$0x3FB4]  }
0x2c: {  	s7 =	sld [smem:$0x3FB5]  }
0x2d: {  	s3 =	simm.s32 $0x108;
	s8 =	sld [smem:$0x3FB6]  }
0x2e: {  	s3 =	simm.s32 @!p0 $0x1082;
	s9 =	sld [smem:$0x3FB7]  }
0x2f: {  	lr =	sadd.s32 s0, s3;
	s0 =	sld [smem:$0x3FAE]  }
0x30: {  	s3 =	sld [smem:$0x3FB1]  }
0x31: {  	[smem:$0x3FBA] =	sst s10  }
0x32: {  	s10 =	sld [smem:$0x3FB8];
	_ =	sdelay $0x3  }
0x33: {  	p0 =	seq.s32 s10, $0x1;
	s10 =	sld [smem:$0x3FBA];
	_ =	sdelay $0x3  }
0x34: {  	[smem:$0x3FBA] =	sst s10  }
0x35: {  	s10 =	sld [smem:$0x3FB9];
	_ =	sdelay $0x3  }
0x36: {  	p1 =	seq.s32 s10, $0x1;
	s10 =	sld [smem:$0x3FBA];
	_ =	sdelay $0x3  }
0x37: {  	[smem:$0x3FBA] =	sst s10  }
0x38: {  	s10 =	sld [smem:$0x3FBB]  }
0x39: {  	_ = 	snop;
	(pc) =	sbr.ind lr, $3  }
0x3a: {  	_ = 	snop  }
0x3b: {  	_ = 	snop  }
0x3c: {  	p2 =	seq.s32 s10, $0x1;
	s10 =	sld [smem:$0x3FBA]  }
0x3d: {  	_ =	shalt  }
0x3e: {  	_ =	shalt  }
0x3f: {  	_ =	shalt  }
0x40: {  	_ =	shalt  }
0x41: {  	_ =	shalt  }
0x42: {  	_ =	shalt  }
0x43: {  	_ =	shalt  }
0x44: {  	_ =	shalt  }
0x45: {  	_ =	shalt  }
0x46: {  	_ =	shalt  }
0x47: {  	_ =	shalt  }
0x48: {  	_ =	shalt  }
0x49: {  	_ =	shalt  }
0x4a: {  	_ =	shalt  }
0x4b: {  	_ =	shalt  }
0x4c: {  	_ =	shalt  }
0x4d: {  	_ =	shalt  }
0x4e: {  	_ =	shalt  }
0x4f: {  	_ =	shalt  }
0x50: {  	_ =	shalt  }
0x51: {  	_ =	shalt  }
0x52: {  	_ =	shalt  }
0x53: {  	_ =	shalt  }
0x54: {  	_ =	shalt  }
0x55: {  	_ =	shalt  }
0x56: {  	_ =	shalt  }
0x57: {  	_ =	shalt  }
0x58: {  	_ =	shalt  }
0x59: {  	_ =	shalt  }
0x5a: {  	_ =	shalt  }
0x5b: {  	_ =	shalt  }
0x5c: {  	_ =	shalt  }
0x5d: {  	_ =	shalt  }
0x5e: {  	_ =	shalt  }
0x5f: {  	_ =	shalt  }
0x60: {  	_ =	shalt  }
0x61: {  	_ =	shalt  }
0x62: {  	_ =	shalt  }
0x63: {  	_ =	shalt  }
0x64: {  	_ =	shalt  }
0x65: {  	_ =	shalt  }
0x66: {  	_ =	shalt  }
0x67: {  	_ =	shalt  }
0x68: {  	_ =	shalt  }
0x69: {  	_ =	shalt  }
0x6a: {  	_ =	shalt  }
0x6b: {  	_ =	shalt  }
0x6c: {  	_ =	shalt  }
0x6d: {  	_ =	shalt  }
0x6e: {  	_ =	shalt  }
0x6f: {  	_ =	shalt  }
0x70: {  	_ =	shalt  }
0x71: {  	_ =	shalt  }
0x72: {  	_ =	shalt  }
0x73: {  	_ =	shalt  }
0x74: {  	_ =	shalt  }
0x75: {  	_ =	shalt  }
0x76: {  	_ =	shalt  }
0x77: {  	_ =	shalt  }
0x78: {  	_ =	shalt  }
0x79: {  	_ =	shalt  }
0x7a: {  	_ =	shalt  }
0x7b: {  	_ =	shalt  }
0x7c: {  	_ =	shalt  }
0x7d: {  	_ =	shalt  }
0x7e: {  	_ =	shalt  }
0x7f: {  	_ =	shalt  }
0x80: {  	_ =	shalt  }
0x81: {  	_ =	shalt  }
0x82: {  	_ =	shalt  }
0x83: {  	_ =	shalt  }
0x84: {  	_ =	shalt  }
0x85: {  	_ =	shalt  }
0x86: {  	_ =	shalt  }
0x87: {  	_ =	shalt  }
.Lfunc_end0:
.L_simem_size_0:
called_computation_lowered:
.L_overlay_start_0:
0x88: {  	s2 =	sld [smem:$0x3FD9]  }
0x89: {  	s3 =	sld [smem:$0x3FFE];
	_ =	sdelay $0x1  }
0x8a: {  	s1 =	srdreg.scid  }
0x8b: {  	s0 =	sand.u32 $0x1, s1  }
0x8c: {  	s17 =	sshll.u32 s0, $0xA;
	s2 =	sadd.s32 s3, s2  }
0x8d: {  	s2 =	sadd.s32 s2, s17  }
0x8e: {  	[smem:$0x3FC6] =	sst s2  }
0x8f: {  	_ = 	snop  }
0x90: {  	s2 =	sld [smem:$0x3FC9]  }
0x91: {  	s18 =	sld [smem:$0x3FD0];
	(tm) =	ssettm $0x1  }
0x92: {  	s4 =	sld [smem:$0x3FFB];
	_ =	sdelay $0x3  }
0x93: {  	_ =	strace s4  }
0x94: {  	s4 =	sld [smem:$0x3FFC];
	_ =	sdelay $0x3  }
0x95: {  	_ =	strace s4  }
0x96: {  	s4 =	sld [smem:$0x3FFD];
	_ =	sdelay $0x3  }
0x97: {  	_ =	strace s4  }
0x98: {  	_ =	strace $0x8FFFFFFF  }
0x99: {  	s19 =	sld [smem:$0x3FDB];
	_ =	sdelay $0x1  }
0x9a: {  	s5 =	simm.s32 $_scs_section_size  }
0x9b: {  	s6 =	simm.s32 $_size__tile_overlayer_lowered;
	s7 =	simm.s32 $_tile_overlayer_lowered  }
0x9c: {  	s22 =	simm.s32 $0x1BFF;
	s21 =	sshll.u32 s7, $0x1;
	s4 =	sadd.s32 s5, s19  }
0x9d: {  	s8 =	simm.s32 $0x0;
	s20 =	sshll.u32 s6, $0x1;
	s6 =	sadd.s32 s21, s4  }
0x9e: {  	[timem:s8], [sflag:s22] =	dma.local [hbm:s6], s20  }
0x9f: {  	_ =	swait.ge [sflag:s22], s20  }
0xa0: {  	s5 =	ssub.s32 $0x0, s20;
	[sflag:s22] =	ssyncset.done $0x0  }
0xa1: {  	[sflag:s22] =	ssyncadd.s32 s5;
	_ =	sdelay $0x1  }
0xa2: {  	s23 =	simm.s32 $0x1B8B  }
0xa3: {  	_ =	swait.ge [sflag:s23], $0x1  }
0xa4: {  	[sflag:s23] =	ssyncset.done $0x0  }
0xa5: {  	s25 =	simm.s32 $0x1B8E;
	s24 =	sld [smem:$0x3FFE];
	[sflag:s23] =	ssyncadd.s32 $0xFFFFFFFF  }
0xa6: {  	s26 =	simm.s32 $execute0_lowered;
	[smem:$0x3FD2] =	sst s25  }
0xa7: {  	s6 =	sshll.u32 s26, $0x1;
	_ =	strace $0x80000046;
	[dreg:$0x1] =	wrdreg $0xFFFFFFFF  }
0xa8: {  	s28 =	simm.s32 $_size_execute0_lowered;
	s4 =	sadd.s32 s4, s6;
	[dreg:$0x0] =	wrdreg $0x0  }
0xa9: {  	s6 =	sshll.u32 s28, $0x1;
	[dreg:$0x2] =	wrdreg s4  }
0xaa: {  	[dreg:$0x3] =	wrdreg s6  }
0xab: {  	[dreg:$0x4] =	wrdreg $0xC0  }
0xac: {  	_ =	task [dreg:s8], $0x5FFFF  }
0xad: {  	[dreg:$0x1] =	wrdreg $0xFFFFFFFF  }
0xae: {  	[dreg:$0x0] =	wrdreg $0x60  }
0xaf: {  	[dreg:$0x2] =	wrdreg s2  }
0xb0: {  	[dreg:$0x3] =	wrdreg s24  }
0xb1: {  	[dreg:$0x4] =	wrdreg s18  }
0xb2: {  	[dreg:$0x5] =	wrdreg $0x9  }
0xb3: {  	_ =	task.clear_ibuf [dreg:s8], $0x6FFFF;
	_ =	strace $0x90000046  }
0xb4: {  	s29 =	simm.s32 $0x9;
	_ =	strace $0x80000048  }
0xb5: {  	_ =	swait.ge [sflag:s29], $0x1  }
0xb6: {  	[sflag:s29] =	ssyncadd.s32 $0xFFFFFFFF  }
0xb7: {  	_ =	strace $0x90000048  }
0xb8: {  	_ =	sfence  }
0xb9: {  	s30 =	sld [smem:$0x0];
	_ =	sdelay $0x2  }
0xba: {  	s31 =	sshll.u32 s1, $0xD;
	s1 =	sshrl.u32 s1, $0x2  }
0xbb: {  	s3 =	sand.u32 $0x4000, s31;
	s1 =	sadd.s32 s1, s30  }
0xbc: {  	s0 =	sor.u32 s3, s0;
	s1 =	sshll.u32 s1, $0x11  }
0xbd: {  	s0 =	sor.u32 s1, s0  }
0xbe: {  	s0 =	sadd.s32 $0x8F2B, s0  }
0xbf: {  	[sflag:s0] =	ssyncadd.remote.s32 $0x1  }
0xc0: {  	_ =	sfence.sel $0xFFFF  }
0xc1: {  	[dreg:$0x0] =	wrdreg $0xFFFFFFFF;
	(pc) =	sbr.abs _section_cstart, $3  }
0xc2: {  	[dreg:$0x1] =	wrdreg $0xFFFFFFFF  }
0xc3: {  	_ =	task.clear_ibuf [dreg:s8], $0x2FFFF;
	_ =	strace $0x9FFFFFFF  }
0xc4: {  	(tm) =	ssettm $0x7FFFFFFF  }
0xc5: {  	_ =	shalt  }
tec
execute0_lowered:
.L_overlay_start_1:
0x0: {  	(tag) =	ssettag $0x1  }
0x1: {  	s1 =	rddreg [dreg:$0x0]  }
0x2: {  	s0 =	rddreg [dreg:$0x1]  }
0x3: {  	s3 =	rddreg [dreg:$0x2];
	s2 =	srdreg.scid  }
0x4: {  	s11 =	stileid.u32;
	s4 =	simm.s32 $0x0;
	s28 =	simm.s32 $0x1  }
0x5: {  	s29 =	simm.s32 $0x10800;
	s16 =	simm.s32 $0x19000;
	s12 =	simm.s32 $0x1C800  }
0x6: {  	s30 =	simm.s32 $0x1D000;
	s31 =	simm.s32 $0x1D800;
	s13 =	simm.s32 $0x1E000  }
0x7: {  	s14 =	simm.s32 $0x2;
	s2 =	sand.u32 $0x1, s2;
	s5 =	sshll.u32 s11, $0x1  }
0x8: {  	[smem:$0x7FF] =	sst s4;
	s8 =	sshll.u32 s11, $0x6;
	p0 =	sgt.u32 s11, $0x7  }
0x9: {  	s11 =	simm.s32 $0x1C000;
	s6 =	ssub.s32 $0x2, s2;
	s2 =	sor.u32 s2, s5  }
0xa: {  	_ =	strace $0x80000047;
	s19 =	sor.u32 $0x1C05, s8;
	s7 =	smul.u32 $0x2700, s2  }
0xb: {  	s22 =	sand.u32 $0x100, s8;
	s8 =	simm.s32 $0x3;
	s18 =	smul.u32 $0x1388, s2  }
0xc: {  	s17 =	sshrl.u32 s6, $0x1;
	[dreg:$0x6] =	wrdreg s19;
	s21 =	smul.u32 $0x138800, s2  }
0xd: {  	s2 =	sshll.u32 s2, $0x4;
	s19 =	simm.s32 $0x0;
	s5 =	ssub.s32 s6, s17  }
0xe: {  	s2 =	sand.u32 $0x70, s2;
	s17 =	simm.s32 $0x2800;
	s6 =	simm.s32 $0x1A800  }
0xf: {  	s9 =	sadd.s32 s1, s7;
	s7 =	sadd.s32 s3, s7;
	s20 =	sshrl.u32 s18, $0x3  }
0x10: {  	s23 =	sshrl.u32 s21, $0x3;
	s10 =	sadd.s32 $0x2710, s18;
	[dreg:$0x4] =	wrdreg s9  }
0x11: {  	s26 =	smax.u32 s5, $0x1;
	s5 =	simm.s32 $0x1A000;
	[dreg:$0x5] =	wrdreg s7  }
0x12: {  	s7 =	sadd.s32 s0, s20;
	s0 =	sor.u32 s2, s22;
	s24 =	sadd.s32 s3, s23  }
0x13: {  	[dreg:$0xc] =	wrdreg s26;
	s22 =	simm.s32 $0x6;
	s9 =	simm.s32 $0x1B800  }
0x14: {  	[dreg:$0x7] =	wrdreg s7;
	s7 =	sadd.s32 $0x5000, s7;
	s0 =	sor.u32 $0x4E000, s0  }
0x15: {  	s2 =	sadd.s32 $0x74A00, s24;
	s24 =	simm.s32 $0x17800;
	[dreg:$0x8] =	wrdreg s7  }
0x16: {  	v2 =	vlaneseq.u32;
	[dreg:$0x9] =	wrdreg s2;
	s25 =	sadd.s32 s1, s0;
	s0 =	sadd.s32 s3, s0  }
0x17: {  	vm0 =	vmmov $0xffff;
	v1 =	vshrl.u32 v2, $0x3;
	s2 =	simm.s32 $0x19800;
	s7 =	simm.s32 $0x1B000;
	[dreg:$0xa] =	wrdreg s25  }
0x18: {  	v0 =	vand.u32 $0x7, v2;
	v2 =	vor.u32 $0x8, v2;
	v1 =	vmul.u32 $0x8, v1;
	[dreg:$0xb] =	wrdreg s0;
	s25 =	simm.s32 $0x18000;
	s0 =	simm.s32 $0x18800  }
.LBB2_1:
0x19: {  	[dreg:$0xd] =	wrdreg s19  }
0x1a: {  	s15 =	rddreg [dreg:$0x4]  }
0x1b: {  	s18 =	rddreg [dreg:$0x5]  }
0x1c: {  	s21 =	rddreg [dreg:$0x6]  }
0x1d: {  	[hbm:s18], [sflag:s21] =	dma.local [hbm:s15], $0x2700  }
0x1e: {  	s15 =	rddreg [dreg:$0x8]  }
0x1f: {  	[tilespmem:s4], [sflag:$0x6] =	stream.linear.gather [hbm4b:s15+s4], $0x1388, $0x38;
	[tilespmem:$0x1E800] =	vst v63  }
0x20: {  	_ =	swait.ge [sflag:s22], $0x1388  }
0x21: {  	[sflag:s22] =	ssyncset.done $0x0  }
0x22: {  	s26 =	simm.s32 $0x1400;
	s23 =	rddreg [dreg:$0x7];
	[sflag:s22] =	ssyncadd.s32 $0xFFFFEC78  }
0x23: {  	[tilespmem:s26], [sflag:$0x6] =	stream.linear.gather [hbm4b:s23+s4], $0x1388, $0x38;
	[tilespmem:$0x1E800] =	vst v63  }
0x24: {  	_ =	swait.ge [sflag:s22], $0x1388  }
0x25: {  	[sflag:s22] =	ssyncset.done $0x0  }
0x26: {  	[sflag:s22] =	ssyncadd.s32 $0xFFFFEC78  }
0x27: {  	v3 =	vld [tilespmem:$0x0];
	_ =	sdelay $0x4  }
0x28: {  	v4 =	vshll.u32 v3, $0x1  }
0x29: {  	v3 =	vand.u32 $0x7, v3;
	v4 =	vand.u32 $0xFFFFFFF0, v4  }
0x2a: {  	v3 =	vor.u32 v3, v4  }
0x2b: {  	v4 =	vperm.xlane v3, v0;
	_ =	sdelay $0x1  }
0x2c: {  	v3 =	vperm.xlane v3, v2;
	v4 =	vadd.s32 v1, v4;
	_ =	sdelay $0x1  }
0x2d: {  	v3 =	vadd.s32 v1, v3;
	_ =	sdelay $0x2  }
0x2e: {  	[tilespmem:s17], [sflag:$0x1] =	stream.indirect_vreg.gather [hbm4b:s1+s4], $0x80, v4, vm0, $0xb8;
	[tilespmem:$0x1E800] =	vst v63  }
0x2f: {  	s19 =	simm.s32 $0x3000  }
0x30: {  	[tilespmem:s19], [sflag:$0x1] =	stream.indirect_vreg.gather [hbm4b:s1+s4], $0x80, v3, vm0, $0xb8;
	[tilespmem:$0x1E800] =	vst v63  }
0x31: {  	v3 =	vld [tilespmem:$0x10];
	_ =	sdelay $0x4  }
0x32: {  	v51 =	vshll.u32 v3, $0x1  }
0x33: {  	v3 =	vand.u32 $0x7, v3;
	v4 =	vand.u32 $0xFFFFFFF0, v51  }
0x34: {  	v3 =	vor.u32 v3, v4  }
0x35: {  	v4 =	vperm.xlane v3, v0;
	_ =	sdelay $0x1  }
0x36: {  	v3 =	vperm.xlane v3, v2;
	v4 =	vadd.s32 v1, v4;
	_ =	sdelay $0x1  }
0x37: {  	v3 =	vadd.s32 v1, v3;
	_ =	sdelay $0x1  }
0x38: {  	s20 =	simm.s32 $0x3800  }
0x39: {  	[tilespmem:s20], [sflag:$0x1] =	stream.indirect_vreg.gather [hbm4b:s1+s4], $0x80, v4, vm0, $0xb8;
	[tilespmem:$0x1E800] =	vst v63  }
0x3a: {  	s21 =	simm.s32 $0x4000  }
0x3b: {  	[tilespmem:s21], [sflag:$0x1] =	stream.indirect_vreg.gather [hbm4b:s1+s4], $0x80, v3, vm0, $0xb8;
	[tilespmem:$0x1E800] =	vst v63  }
0x3c: {  	v3 =	vld [tilespmem:$0x20];
	_ =	sdelay $0x4  }
0x3d: {  	v52 =	vshll.u32 v3, $0x1  }
0x3e: {  	v3 =	vand.u32 $0x7, v3;
	v4 =	vand.u32 $0xFFFFFFF0, v52  }
0x3f: {  	v3 =	vor.u32 v3, v4  }
0x40: {  	v4 =	vperm.xlane v3, v0;
	_ =	sdelay $0x1  }
0x41: {  	v3 =	vperm.xlane v3, v2;
	v4 =	vadd.s32 v1, v4;
	_ =	sdelay $0x1  }
0x42: {  	v3 =	vadd.s32 v1, v3;
	_ =	sdelay $0x1  }
0x43: {  	s22 =	simm.s32 $0x4800  }
0x44: {  	[tilespmem:s22], [sflag:$0x1] =	stream.indirect_vreg.gather [hbm4b:s1+s4], $0x80, v4, vm0, $0xb8;
	[tilespmem:$0x1E800] =	vst v63  }
0x45: {  	s23 =	simm.s32 $0x5000  }
0x46: {  	[tilespmem:s23], [sflag:$0x1] =	stream.indirect_vreg.gather [hbm4b:s1+s4], $0x80, v3, vm0, $0xb8;
	[tilespmem:$0x1E800] =	vst v63  }
0x47: {  	v3 =	vld [tilespmem:$0x30];
	_ =	sdelay $0x4  }
0x48: {  	v53 =	vshll.u32 v3, $0x1  }
0x49: {  	v3 =	vand.u32 $0x7, v3;
	v4 =	vand.u32 $0xFFFFFFF0, v53  }
0x4a: {  	v3 =	vor.u32 v3, v4  }
0x4b: {  	v4 =	vperm.xlane v3, v0;
	_ =	sdelay $0x1  }
0x4c: {  	v3 =	vperm.xlane v3, v2;
	v4 =	vadd.s32 v1, v4;
	_ =	sdelay $0x1  }
0x4d: {  	v3 =	vadd.s32 v1, v3;
	_ =	sdelay $0x1  }
0x4e: {  	s26 =	simm.s32 $0x5800  }
0x4f: {  	[tilespmem:s26], [sflag:$0x1] =	stream.indirect_vreg.gather [hbm4b:s1+s4], $0x80, v4, vm0, $0xb8;
	[tilespmem:$0x1E800] =	vst v63  }
0x50: {  	s18 =	simm.s32 $0x6000  }
0x51: {  	[tilespmem:s18], [sflag:$0x1] =	stream.indirect_vreg.gather [hbm4b:s1+s4], $0x80, v3, vm0, $0xb8;
	[tilespmem:$0x1E800] =	vst v63  }
0x52: {  	v3 =	vld [tilespmem:$0x40];
	_ =	sdelay $0x4  }
0x53: {  	v54 =	vshll.u32 v3, $0x1  }
0x54: {  	v3 =	vand.u32 $0x7, v3;
	v4 =	vand.u32 $0xFFFFFFF0, v54  }
0x55: {  	v3 =	vor.u32 v3, v4  }
0x56: {  	v4 =	vperm.xlane v3, v0;
	_ =	sdelay $0x1  }
0x57: {  	v3 =	vperm.xlane v3, v2;
	v4 =	vadd.s32 v1, v4;
	_ =	sdelay $0x1  }
0x58: {  	v3 =	vadd.s32 v1, v3;
	_ =	sdelay $0x1  }
0x59: {  	s19 =	simm.s32 $0x6800  }
0x5a: {  	[tilespmem:s19], [sflag:$0x1] =	stream.indirect_vreg.gather [hbm4b:s1+s4], $0x80, v4, vm0, $0xb8;
	[tilespmem:$0x1E800] =	vst v63  }
0x5b: {  	s20 =	simm.s32 $0x7000  }
0x5c: {  	[tilespmem:s20], [sflag:$0x1] =	stream.indirect_vreg.gather [hbm4b:s1+s4], $0x80, v3, vm0, $0xb8;
	[tilespmem:$0x1E800] =	vst v63  }
0x5d: {  	v3 =	vld [tilespmem:$0x50];
	_ =	sdelay $0x4  }
0x5e: {  	v55 =	vshll.u32 v3, $0x1  }
0x5f: {  	v3 =	vand.u32 $0x7, v3;
	v4 =	vand.u32 $0xFFFFFFF0, v55  }
0x60: {  	v3 =	vor.u32 v3, v4  }
0x61: {  	v4 =	vperm.xlane v3, v0;
	_ =	sdelay $0x1  }
0x62: {  	v3 =	vperm.xlane v3, v2;
	v4 =	vadd.s32 v1, v4;
	_ =	sdelay $0x1  }
0x63: {  	v3 =	vadd.s32 v1, v3;
	_ =	sdelay $0x1  }
0x64: {  	s21 =	simm.s32 $0x7800  }
0x65: {  	[tilespmem:s21], [sflag:$0x1] =	stream.indirect_vreg.gather [hbm4b:s1+s4], $0x80, v4, vm0, $0xb8;
	[tilespmem:$0x1E800] =	vst v63  }
0x66: {  	s22 =	simm.s32 $0x8000  }
0x67: {  	[tilespmem:s22], [sflag:$0x1] =	stream.indirect_vreg.gather [hbm4b:s1+s4], $0x80, v3, vm0, $0xb8;
	[tilespmem:$0x1E800] =	vst v63  }
0x68: {  	v3 =	vld [tilespmem:$0x60];
	_ =	sdelay $0x4  }
0x69: {  	v56 =	vshll.u32 v3, $0x1  }
0x6a: {  	v3 =	vand.u32 $0x7, v3;
	v4 =	vand.u32 $0xFFFFFFF0, v56  }
0x6b: {  	v3 =	vor.u32 v3, v4  }
0x6c: {  	v4 =	vperm.xlane v3, v0;
	_ =	sdelay $0x1  }
0x6d: {  	v3 =	vperm.xlane v3, v2;
	v4 =	vadd.s32 v1, v4;
	_ =	sdelay $0x1  }
0x6e: {  	v3 =	vadd.s32 v1, v3;
	_ =	sdelay $0x1  }
0x6f: {  	s23 =	simm.s32 $0x8800  }
0x70: {  	[tilespmem:s23], [sflag:$0x1] =	stream.indirect_vreg.gather [hbm4b:s1+s4], $0x80, v4, vm0, $0xb8;
	[tilespmem:$0x1E800] =	vst v63  }
0x71: {  	s26 =	simm.s32 $0x9000  }
0x72: {  	[tilespmem:s26], [sflag:$0x1] =	stream.indirect_vreg.gather [hbm4b:s1+s4], $0x80, v3, vm0, $0xb8;
	[tilespmem:$0x1E800] =	vst v63  }
0x73: {  	v3 =	vld [tilespmem:$0x1400];
	_ =	sdelay $0x4  }
0x74: {  	v57 =	vshll.u32 v3, $0x1  }
0x75: {  	v3 =	vand.u32 $0x7, v3;
	v4 =	vand.u32 $0xFFFFFFF0, v57  }
0x76: {  	v3 =	vor.u32 v3, v4  }
0x77: {  	v4 =	vperm.xlane v3, v0;
	_ =	sdelay $0x1  }
0x78: {  	v3 =	vperm.xlane v3, v2;
	v4 =	vadd.s32 v1, v4;
	_ =	sdelay $0x1  }
0x79: {  	v3 =	vadd.s32 v1, v3;
	_ =	sdelay $0x1  }
0x7a: {  	s18 =	simm.s32 $0x9800  }
0x7b: {  	[tilespmem:s18], [sflag:$0x1] =	stream.indirect_vreg.gather [hbm4b:s1+s4], $0x80, v4, vm0, $0xb8;
	[tilespmem:$0x1E800] =	vst v63  }
0x7c: {  	s19 =	simm.s32 $0xA000  }
0x7d: {  	[tilespmem:s19], [sflag:$0x1] =	stream.indirect_vreg.gather [hbm4b:s1+s4], $0x80, v3, vm0, $0xb8;
	[tilespmem:$0x1E800] =	vst v63  }
0x7e: {  	v3 =	vld [tilespmem:$0x1410];
	_ =	sdelay $0x4  }
0x7f: {  	v58 =	vshll.u32 v3, $0x1  }
0x80: {  	v3 =	vand.u32 $0x7, v3;
	v4 =	vand.u32 $0xFFFFFFF0, v58  }
0x81: {  	v3 =	vor.u32 v3, v4  }
0x82: {  	v4 =	vperm.xlane v3, v0;
	_ =	sdelay $0x1  }
0x83: {  	v3 =	vperm.xlane v3, v2;
	v4 =	vadd.s32 v1, v4;
	_ =	sdelay $0x1  }
0x84: {  	v3 =	vadd.s32 v1, v3;
	_ =	sdelay $0x1  }
0x85: {  	s20 =	simm.s32 $0xA800  }
0x86: {  	[tilespmem:s20], [sflag:$0x1] =	stream.indirect_vreg.gather [hbm4b:s1+s4], $0x80, v4, vm0, $0xb8;
	[tilespmem:$0x1E800] =	vst v63  }
0x87: {  	s21 =	simm.s32 $0xB000  }
0x88: {  	[tilespmem:s21], [sflag:$0x1] =	stream.indirect_vreg.gather [hbm4b:s1+s4], $0x80, v3, vm0, $0xb8;
	[tilespmem:$0x1E800] =	vst v63  }
0x89: {  	v3 =	vld [tilespmem:$0x1420];
	_ =	sdelay $0x4  }
0x8a: {  	v59 =	vshll.u32 v3, $0x1  }
0x8b: {  	v3 =	vand.u32 $0x7, v3;
	v4 =	vand.u32 $0xFFFFFFF0, v59  }
0x8c: {  	v3 =	vor.u32 v3, v4  }
0x8d: {  	v4 =	vperm.xlane v3, v0;
	_ =	sdelay $0x1  }
0x8e: {  	v3 =	vperm.xlane v3, v2;
	v4 =	vadd.s32 v1, v4;
	_ =	sdelay $0x1  }
0x8f: {  	v3 =	vadd.s32 v1, v3;
	_ =	sdelay $0x1  }
0x90: {  	s22 =	simm.s32 $0xB800  }
0x91: {  	[tilespmem:s22], [sflag:$0x1] =	stream.indirect_vreg.gather [hbm4b:s1+s4], $0x80, v4, vm0, $0xb8;
	[tilespmem:$0x1E800] =	vst v63  }
0x92: {  	s23 =	simm.s32 $0xC000  }
0x93: {  	[tilespmem:s23], [sflag:$0x1] =	stream.indirect_vreg.gather [hbm4b:s1+s4], $0x80, v3, vm0, $0xb8;
	[tilespmem:$0x1E800] =	vst v63  }
0x94: {  	v3 =	vld [tilespmem:$0x1430];
	_ =	sdelay $0x4  }
0x95: {  	v60 =	vshll.u32 v3, $0x1  }
0x96: {  	v3 =	vand.u32 $0x7, v3;
	v4 =	vand.u32 $0xFFFFFFF0, v60  }
0x97: {  	v3 =	vor.u32 v3, v4  }
0x98: {  	v4 =	vperm.xlane v3, v0;
	_ =	sdelay $0x1  }
0x99: {  	v3 =	vperm.xlane v3, v2;
	v4 =	vadd.s32 v1, v4;
	_ =	sdelay $0x1  }
0x9a: {  	v3 =	vadd.s32 v1, v3;
	_ =	sdelay $0x1  }
0x9b: {  	s26 =	simm.s32 $0xC800  }
0x9c: {  	[tilespmem:s26], [sflag:$0x1] =	stream.indirect_vreg.gather [hbm4b:s1+s4], $0x80, v4, vm0, $0xb8;
	[tilespmem:$0x1E800] =	vst v63  }
0x9d: {  	s18 =	simm.s32 $0xD000  }
0x9e: {  	[tilespmem:s18], [sflag:$0x1] =	stream.indirect_vreg.gather [hbm4b:s1+s4], $0x80, v3, vm0, $0xb8;
	[tilespmem:$0x1E800] =	vst v63  }
0x9f: {  	v3 =	vld [tilespmem:$0x1440];
	_ =	sdelay $0x4  }
0xa0: {  	v61 =	vshll.u32 v3, $0x1  }
0xa1: {  	v3 =	vand.u32 $0x7, v3;
	v4 =	vand.u32 $0xFFFFFFF0, v61  }
0xa2: {  	v3 =	vor.u32 v3, v4  }
0xa3: {  	v4 =	vperm.xlane v3, v0;
	_ =	sdelay $0x1  }
0xa4: {  	v3 =	vperm.xlane v3, v2;
	v4 =	vadd.s32 v1, v4;
	_ =	sdelay $0x1  }
0xa5: {  	v3 =	vadd.s32 v1, v3;
	_ =	sdelay $0x1  }
0xa6: {  	s19 =	simm.s32 $0xD800  }
0xa7: {  	[tilespmem:s19], [sflag:$0x1] =	stream.indirect_vreg.gather [hbm4b:s1+s4], $0x80, v4, vm0, $0xb8;
	[tilespmem:$0x1E800] =	vst v63  }
0xa8: {  	s20 =	simm.s32 $0xE000  }
0xa9: {  	[tilespmem:s20], [sflag:$0x1] =	stream.indirect_vreg.gather [hbm4b:s1+s4], $0x80, v3, vm0, $0xb8;
	[tilespmem:$0x1E800] =	vst v63  }
0xaa: {  	v3 =	vld [tilespmem:$0x1450];
	_ =	sdelay $0x4  }
0xab: {  	v62 =	vshll.u32 v3, $0x1  }
0xac: {  	v3 =	vand.u32 $0x7, v3;
	v4 =	vand.u32 $0xFFFFFFF0, v62  }
0xad: {  	v3 =	vor.u32 v3, v4  }
0xae: {  	v4 =	vperm.xlane v3, v0;
	_ =	sdelay $0x1  }
0xaf: {  	v3 =	vperm.xlane v3, v2;
	v4 =	vadd.s32 v1, v4;
	_ =	sdelay $0x1  }
0xb0: {  	v3 =	vadd.s32 v1, v3;
	_ =	sdelay $0x1  }
0xb1: {  	s21 =	simm.s32 $0xE800  }
0xb2: {  	[tilespmem:s21], [sflag:$0x1] =	stream.indirect_vreg.gather [hbm4b:s1+s4], $0x80, v4, vm0, $0xb8;
	[tilespmem:$0x1E800] =	vst v63  }
0xb3: {  	s22 =	simm.s32 $0xF000  }
0xb4: {  	[tilespmem:s22], [sflag:$0x1] =	stream.indirect_vreg.gather [hbm4b:s1+s4], $0x80, v3, vm0, $0xb8;
	[tilespmem:$0x1E800] =	vst v63  }
0xb5: {  	v3 =	vld [tilespmem:$0x1460];
	_ =	sdelay $0x4  }
0xb6: {  	v63 =	vshll.u32 v3, $0x1  }
0xb7: {  	v3 =	vand.u32 $0x7, v3;
	v4 =	vand.u32 $0xFFFFFFF0, v63  }
0xb8: {  	v3 =	vor.u32 v3, v4  }
0xb9: {  	v4 =	vperm.xlane v3, v0;
	_ =	sdelay $0x1  }
0xba: {  	v3 =	vperm.xlane v3, v2;
	v4 =	vadd.s32 v1, v4;
	_ =	sdelay $0x1  }
0xbb: {  	v3 =	vadd.s32 v1, v3;
	_ =	sdelay $0x1  }
0xbc: {  	s23 =	simm.s32 $0xF800  }
0xbd: {  	[tilespmem:s23], [sflag:$0x1] =	stream.indirect_vreg.gather [hbm4b:s1+s4], $0x80, v4, vm0, $0xb8;
	[tilespmem:$0x1E800] =	vst v63  }
0xbe: {  	s15 =	simm.s32 $0x0;
	s26 =	simm.s32 $0x10000  }
0xbf: {  	[tilespmem:s26], [sflag:$0x1] =	stream.indirect_vreg.gather [hbm4b:s1+s4], $0x80, v3, vm0, $0xb8;
	[tilespmem:$0x1E800] =	vst v63  }
.LBB2_2:
0xc0: {  	_ =	swait.ge [sflag:s28], $0x7000  }
0xc1: {  	[sflag:s28] =	ssyncset.done $0x0  }
0xc2: {  	[sflag:s28] =	ssyncadd.s32 $0xFFFF9000  }
0xc3: {  	_ =	swait.ge [sflag:s28], $0x7000  }
0xc4: {  	p1 =	seq.s32 s15, $0x0;
	[sflag:s28] =	ssyncset.done $0x0  }
0xc5: {  	s19 =	simm.s32 @!p1 $0x4;
	[sflag:s28] =	ssyncadd.s32 $0xFFFF9000  }
0xc6: {  	_ =	swait.ge @!p1 [sflag:s19], $0x7000  }
0xc7: {  	s18 =	smul.u32 $0xE0, s15;
	[sflag:s19] =	ssyncset.done @!p1 $0x0  }
0xc8: {  	[sflag:s19] =	ssyncadd.s32 @!p1 $0xFFFF9000  }
0xc9: {  	v3 =	vld [tilespmem:s18+$0x70];
	_ =	sdelay $0x4  }
0xca: {  	v4 =	vshll.u32 v3, $0x1  }
0xcb: {  	v3 =	vand.u32 $0x7, v3;
	v4 =	vand.u32 $0xFFFFFFF0, v4  }
0xcc: {  	v3 =	vor.u32 v3, v4  }
0xcd: {  	v4 =	vperm.xlane v3, v0;
	_ =	sdelay $0x1  }
0xce: {  	v3 =	vperm.xlane v3, v2;
	v4 =	vadd.s32 v1, v4;
	_ =	sdelay $0x1  }
0xcf: {  	v3 =	vadd.s32 v1, v3;
	_ =	sdelay $0x1  }
0xd0: {  	s19 =	simm.s32 $0x0  }
0xd1: {  	[tilespmem:s29], [sflag:$0x2] =	stream.indirect_vreg.gather [hbm4b:s1+s19], $0x80, v4, vm0, $0xb8;
	[tilespmem:$0x1E800] =	vst v63  }
0xd2: {  	s20 =	simm.s32 $0x11000  }
0xd3: {  	[tilespmem:s20], [sflag:$0x2] =	stream.indirect_vreg.gather [hbm4b:s1+s19], $0x80, v3, vm0, $0xb8;
	[tilespmem:$0x1E800] =	vst v63  }
0xd4: {  	v3 =	vld [tilespmem:s18+$0x80];
	_ =	sdelay $0x4  }
0xd5: {  	v4 =	vshll.u32 v3, $0x1  }
0xd6: {  	v3 =	vand.u32 $0x7, v3;
	v4 =	vand.u32 $0xFFFFFFF0, v4  }
0xd7: {  	v3 =	vor.u32 v3, v4  }
0xd8: {  	v4 =	vperm.xlane v3, v0;
	_ =	sdelay $0x1  }
0xd9: {  	v3 =	vperm.xlane v3, v2;
	v4 =	vadd.s32 v1, v4;
	_ =	sdelay $0x1  }
0xda: {  	v3 =	vadd.s32 v1, v3;
	_ =	sdelay $0x1  }
0xdb: {  	s26 =	simm.s32 $0x11800  }
0xdc: {  	[tilespmem:s26], [sflag:$0x2] =	stream.indirect_vreg.gather [hbm4b:s1+s19], $0x80, v4, vm0, $0xb8;
	[tilespmem:$0x1E800] =	vst v63  }
0xdd: {  	s21 =	simm.s32 $0x12000  }
0xde: {  	[tilespmem:s21], [sflag:$0x2] =	stream.indirect_vreg.gather [hbm4b:s1+s19], $0x80, v3, vm0, $0xb8;
	[tilespmem:$0x1E800] =	vst v63  }
0xdf: {  	v3 =	vld [tilespmem:s18+$0x90];
	_ =	sdelay $0x4  }
0xe0: {  	v4 =	vshll.u32 v3, $0x1  }
0xe1: {  	v3 =	vand.u32 $0x7, v3;
	v4 =	vand.u32 $0xFFFFFFF0, v4  }
0xe2: {  	v3 =	vor.u32 v3, v4  }
0xe3: {  	v4 =	vperm.xlane v3, v0;
	_ =	sdelay $0x1  }
0xe4: {  	v3 =	vperm.xlane v3, v2;
	v4 =	vadd.s32 v1, v4;
	_ =	sdelay $0x1  }
0xe5: {  	v3 =	vadd.s32 v1, v3;
	_ =	sdelay $0x1  }
0xe6: {  	s22 =	simm.s32 $0x12800  }
0xe7: {  	[tilespmem:s22], [sflag:$0x2] =	stream.indirect_vreg.gather [hbm4b:s1+s19], $0x80, v4, vm0, $0xb8;
	[tilespmem:$0x1E800] =	vst v63  }
0xe8: {  	s23 =	simm.s32 $0x13000  }
0xe9: {  	[tilespmem:s23], [sflag:$0x2] =	stream.indirect_vreg.gather [hbm4b:s1+s19], $0x80, v3, vm0, $0xb8;
	[tilespmem:$0x1E800] =	vst v63  }
0xea: {  	v3 =	vld [tilespmem:s18+$0xA0];
	_ =	sdelay $0x4  }
0xeb: {  	v4 =	vshll.u32 v3, $0x1  }
0xec: {  	v3 =	vand.u32 $0x7, v3;
	v4 =	vand.u32 $0xFFFFFFF0, v4  }
0xed: {  	v3 =	vor.u32 v3, v4  }
0xee: {  	v4 =	vperm.xlane v3, v0;
	_ =	sdelay $0x1  }
0xef: {  	v3 =	vperm.xlane v3, v2;
	v4 =	vadd.s32 v1, v4;
	_ =	sdelay $0x1  }
0xf0: {  	v3 =	vadd.s32 v1, v3;
	_ =	sdelay $0x1  }
0xf1: {  	s26 =	simm.s32 $0x13800  }
0xf2: {  	[tilespmem:s26], [sflag:$0x2] =	stream.indirect_vreg.gather [hbm4b:s1+s19], $0x80, v4, vm0, $0xb8;
	[tilespmem:$0x1E800] =	vst v63  }
0xf3: {  	s21 =	simm.s32 $0x14000  }
0xf4: {  	[tilespmem:s21], [sflag:$0x2] =	stream.indirect_vreg.gather [hbm4b:s1+s19], $0x80, v3, vm0, $0xb8;
	[tilespmem:$0x1E800] =	vst v63  }
0xf5: {  	v3 =	vld [tilespmem:s18+$0xB0];
	_ =	sdelay $0x4  }
0xf6: {  	v4 =	vshll.u32 v3, $0x1  }
0xf7: {  	v3 =	vand.u32 $0x7, v3;
	v4 =	vand.u32 $0xFFFFFFF0, v4  }
0xf8: {  	v3 =	vor.u32 v3, v4  }
0xf9: {  	v4 =	vperm.xlane v3, v0;
	_ =	sdelay $0x1  }
0xfa: {  	v3 =	vperm.xlane v3, v2;
	v4 =	vadd.s32 v1, v4;
	_ =	sdelay $0x1  }
0xfb: {  	v3 =	vadd.s32 v1, v3;
	_ =	sdelay $0x1  }
0xfc: {  	s22 =	simm.s32 $0x14800  }
0xfd: {  	[tilespmem:s22], [sflag:$0x2] =	stream.indirect_vreg.gather [hbm4b:s1+s19], $0x80, v4, vm0, $0xb8;
	[tilespmem:$0x1E800] =	vst v63  }
0xfe: {  	s23 =	simm.s32 $0x15000  }
0xff: {  	[tilespmem:s23], [sflag:$0x2] =	stream.indirect_vreg.gather [hbm4b:s1+s19], $0x80, v3, vm0, $0xb8;
	[tilespmem:$0x1E800] =	vst v63  }
0x100: {  	v3 =	vld [tilespmem:s18+$0xC0];
	_ =	sdelay $0x4  }
0x101: {  	v4 =	vshll.u32 v3, $0x1  }
0x102: {  	v3 =	vand.u32 $0x7, v3;
	v4 =	vand.u32 $0xFFFFFFF0, v4  }
0x103: {  	v3 =	vor.u32 v3, v4  }
0x104: {  	v4 =	vperm.xlane v3, v0;
	_ =	sdelay $0x1  }
0x105: {  	v3 =	vperm.xlane v3, v2;
	v4 =	vadd.s32 v1, v4;
	_ =	sdelay $0x1  }
0x106: {  	v3 =	vadd.s32 v1, v3;
	_ =	sdelay $0x1  }
0x107: {  	s26 =	simm.s32 $0x15800  }
0x108: {  	[tilespmem:s26], [sflag:$0x2] =	stream.indirect_vreg.gather [hbm4b:s1+s19], $0x80, v4, vm0, $0xb8;
	[tilespmem:$0x1E800] =	vst v63  }
0x109: {  	s21 =	simm.s32 $0x16000  }
0x10a: {  	[tilespmem:s21], [sflag:$0x2] =	stream.indirect_vreg.gather [hbm4b:s1+s19], $0x80, v3, vm0, $0xb8;
	[tilespmem:$0x1E800] =	vst v63  }
0x10b: {  	v3 =	vld [tilespmem:s18+$0xD0];
	_ =	sdelay $0x4  }
0x10c: {  	v4 =	vshll.u32 v3, $0x1  }
0x10d: {  	v3 =	vand.u32 $0x7, v3;
	v4 =	vand.u32 $0xFFFFFFF0, v4  }
0x10e: {  	v3 =	vor.u32 v3, v4  }
0x10f: {  	v4 =	vperm.xlane v3, v0;
	_ =	sdelay $0x1  }
0x110: {  	v3 =	vperm.xlane v3, v2;
	v4 =	vadd.s32 v1, v4;
	_ =	sdelay $0x1  }
0x111: {  	v3 =	vadd.s32 v1, v3;
	_ =	sdelay $0x1  }
0x112: {  	s22 =	simm.s32 $0x16800  }
0x113: {  	[tilespmem:s22], [sflag:$0x2] =	stream.indirect_vreg.gather [hbm4b:s1+s19], $0x80, v4, vm0, $0xb8;
	[tilespmem:$0x1E800] =	vst v63  }
0x114: {  	s23 =	simm.s32 $0x17000  }
0x115: {  	[tilespmem:s23], [sflag:$0x2] =	stream.indirect_vreg.gather [hbm4b:s1+s19], $0x80, v3, vm0, $0xb8;
	[tilespmem:$0x1E800] =	vst v63  }
0x116: {  	v3 =	vld [tilespmem:s18+$0x1470];
	_ =	sdelay $0x4  }
0x117: {  	v4 =	vshll.u32 v3, $0x1  }
0x118: {  	v3 =	vand.u32 $0x7, v3;
	v4 =	vand.u32 $0xFFFFFFF0, v4  }
0x119: {  	v3 =	vor.u32 v3, v4  }
0x11a: {  	v4 =	vperm.xlane v3, v0;
	_ =	sdelay $0x1  }
0x11b: {  	v3 =	vperm.xlane v3, v2;
	v4 =	vadd.s32 v1, v4;
	_ =	sdelay $0x1  }
0x11c: {  	v3 =	vadd.s32 v1, v3;
	_ =	sdelay $0x2  }
0x11d: {  	[tilespmem:s24], [sflag:$0x2] =	stream.indirect_vreg.gather [hbm4b:s1+s19], $0x80, v4, vm0, $0xb8;
	[tilespmem:$0x1E800] =	vst v63  }
0x11e: {  	_ = 	snop  }
0x11f: {  	[tilespmem:s25], [sflag:$0x2] =	stream.indirect_vreg.gather [hbm4b:s1+s19], $0x80, v3, vm0, $0xb8;
	[tilespmem:$0x1E800] =	vst v63  }
0x120: {  	v3 =	vld [tilespmem:s18+$0x1480];
	_ =	sdelay $0x4  }
0x121: {  	v4 =	vshll.u32 v3, $0x1  }
0x122: {  	v3 =	vand.u32 $0x7, v3;
	v4 =	vand.u32 $0xFFFFFFF0, v4  }
0x123: {  	v3 =	vor.u32 v3, v4  }
0x124: {  	v4 =	vperm.xlane v3, v0;
	_ =	sdelay $0x1  }
0x125: {  	v3 =	vperm.xlane v3, v2;
	v4 =	vadd.s32 v1, v4;
	_ =	sdelay $0x1  }
0x126: {  	v3 =	vadd.s32 v1, v3;
	_ =	sdelay $0x2  }
0x127: {  	[tilespmem:s0], [sflag:$0x2] =	stream.indirect_vreg.gather [hbm4b:s1+s19], $0x80, v4, vm0, $0xb8;
	[tilespmem:$0x1E800] =	vst v63  }
0x128: {  	_ = 	snop  }
0x129: {  	[tilespmem:s16], [sflag:$0x2] =	stream.indirect_vreg.gather [hbm4b:s1+s19], $0x80, v3, vm0, $0xb8;
	[tilespmem:$0x1E800] =	vst v63  }
0x12a: {  	v3 =	vld [tilespmem:s18+$0x1490];
	_ =	sdelay $0x4  }
0x12b: {  	v4 =	vshll.u32 v3, $0x1  }
0x12c: {  	v3 =	vand.u32 $0x7, v3;
	v4 =	vand.u32 $0xFFFFFFF0, v4  }
0x12d: {  	v3 =	vor.u32 v3, v4  }
0x12e: {  	v4 =	vperm.xlane v3, v0;
	_ =	sdelay $0x1  }
0x12f: {  	v3 =	vperm.xlane v3, v2;
	v4 =	vadd.s32 v1, v4;
	_ =	sdelay $0x1  }
0x130: {  	v3 =	vadd.s32 v1, v3;
	_ =	sdelay $0x2  }
0x131: {  	[tilespmem:s2], [sflag:$0x2] =	stream.indirect_vreg.gather [hbm4b:s1+s19], $0x80, v4, vm0, $0xb8;
	[tilespmem:$0x1E800] =	vst v63  }
0x132: {  	_ = 	snop  }
0x133: {  	[tilespmem:s5], [sflag:$0x2] =	stream.indirect_vreg.gather [hbm4b:s1+s19], $0x80, v3, vm0, $0xb8;
	[tilespmem:$0x1E800] =	vst v63  }
0x134: {  	v3 =	vld [tilespmem:s18+$0x14A0];
	_ =	sdelay $0x4  }
0x135: {  	v4 =	vshll.u32 v3, $0x1  }
0x136: {  	v3 =	vand.u32 $0x7, v3;
	v4 =	vand.u32 $0xFFFFFFF0, v4  }
0x137: {  	v3 =	vor.u32 v3, v4  }
0x138: {  	v4 =	vperm.xlane v3, v0;
	_ =	sdelay $0x1  }
0x139: {  	v3 =	vperm.xlane v3, v2;
	v4 =	vadd.s32 v1, v4;
	_ =	sdelay $0x1  }
0x13a: {  	v3 =	vadd.s32 v1, v3;
	_ =	sdelay $0x2  }
0x13b: {  	[tilespmem:s6], [sflag:$0x2] =	stream.indirect_vreg.gather [hbm4b:s1+s19], $0x80, v4, vm0, $0xb8;
	[tilespmem:$0x1E800] =	vst v63  }
0x13c: {  	_ = 	snop  }
0x13d: {  	[tilespmem:s7], [sflag:$0x2] =	stream.indirect_vreg.gather [hbm4b:s1+s19], $0x80, v3, vm0, $0xb8;
	[tilespmem:$0x1E800] =	vst v63  }
0x13e: {  	v3 =	vld [tilespmem:s18+$0x14B0];
	_ =	sdelay $0x4  }
0x13f: {  	v4 =	vshll.u32 v3, $0x1  }
0x140: {  	v3 =	vand.u32 $0x7, v3;
	v4 =	vand.u32 $0xFFFFFFF0, v4  }
0x141: {  	v3 =	vor.u32 v3, v4  }
0x142: {  	v4 =	vperm.xlane v3, v0;
	_ =	sdelay $0x1  }
0x143: {  	v3 =	vperm.xlane v3, v2;
	v4 =	vadd.s32 v1, v4;
	_ =	sdelay $0x1  }
0x144: {  	v3 =	vadd.s32 v1, v3;
	_ =	sdelay $0x2  }
0x145: {  	[tilespmem:s9], [sflag:$0x2] =	stream.indirect_vreg.gather [hbm4b:s1+s19], $0x80, v4, vm0, $0xb8;
	[tilespmem:$0x1E800] =	vst v63  }
0x146: {  	_ = 	snop  }
0x147: {  	[tilespmem:s11], [sflag:$0x2] =	stream.indirect_vreg.gather [hbm4b:s1+s19], $0x80, v3, vm0, $0xb8;
	[tilespmem:$0x1E800] =	vst v63  }
0x148: {  	v3 =	vld [tilespmem:s18+$0x14C0];
	_ =	sdelay $0x4  }
0x149: {  	v4 =	vshll.u32 v3, $0x1  }
0x14a: {  	v3 =	vand.u32 $0x7, v3;
	v4 =	vand.u32 $0xFFFFFFF0, v4  }
0x14b: {  	v3 =	vor.u32 v3, v4  }
0x14c: {  	v4 =	vperm.xlane v3, v0;
	_ =	sdelay $0x1  }
0x14d: {  	v3 =	vperm.xlane v3, v2;
	v4 =	vadd.s32 v1, v4;
	_ =	sdelay $0x1  }
0x14e: {  	v3 =	vadd.s32 v1, v3;
	_ =	sdelay $0x2  }
0x14f: {  	[tilespmem:s12], [sflag:$0x2] =	stream.indirect_vreg.gather [hbm4b:s1+s19], $0x80, v4, vm0, $0xb8;
	[tilespmem:$0x1E800] =	vst v63  }
0x150: {  	_ = 	snop  }
0x151: {  	[tilespmem:s30], [sflag:$0x2] =	stream.indirect_vreg.gather [hbm4b:s1+s19], $0x80, v3, vm0, $0xb8;
	[tilespmem:$0x1E800] =	vst v63  }
0x152: {  	v3 =	vld [tilespmem:s18+$0x14D0];
	_ =	sdelay $0x4  }
0x153: {  	v4 =	vshll.u32 v3, $0x1  }
0x154: {  	v3 =	vand.u32 $0x7, v3;
	v4 =	vand.u32 $0xFFFFFFF0, v4  }
0x155: {  	v3 =	vor.u32 v3, v4  }
0x156: {  	v4 =	vperm.xlane v3, v0;
	_ =	sdelay $0x1  }
0x157: {  	v3 =	vperm.xlane v3, v2;
	v4 =	vadd.s32 v1, v4;
	_ =	sdelay $0x1  }
0x158: {  	v3 =	vadd.s32 v1, v3;
	_ =	sdelay $0x2  }
0x159: {  	[tilespmem:s31], [sflag:$0x2] =	stream.indirect_vreg.gather [hbm4b:s1+s19], $0x80, v4, vm0, $0xb8;
	[tilespmem:$0x1E800] =	vst v63  }
0x15a: {  	_ = 	snop  }
0x15b: {  	[tilespmem:s13], [sflag:$0x2] =	stream.indirect_vreg.gather [hbm4b:s1+s19], $0x80, v3, vm0, $0xb8;
	[tilespmem:$0x1E800] =	vst v63  }
0x15c: {  	s26 =	sand.u32 $0x7800, s19;
	s19 =	sand.u32 $0x380, s19  }
0x15d: {  	s19 =	sor.u32 s19, s26  }
0x15e: {  	v10 =	vld [tilespmem:s19+$0x9800]  }
0x15f: {  	v11 =	vld [tilespmem:s19+$0x9810]  }
0x160: {  	v12 =	vld [tilespmem:s19+$0x9820]  }
0x161: {  	v13 =	vld [tilespmem:s19+$0x9830]  }
0x162: {  	v14 =	vld [tilespmem:s19+$0x9840]  }
0x163: {  	v15 =	vld [tilespmem:s19+$0x9850]  }
0x164: {  	v16 =	vld [tilespmem:s19+$0x9860]  }
0x165: {  	v17 =	vld [tilespmem:s19+$0x9870]  }
0x166: {  	v19 =	vld [tilespmem:s19+$0x9C00]  }
0x167: {  	v9 =	vld [tilespmem:s19+$0x9C10]  }
0x168: {  	v8 =	vld [tilespmem:s19+$0x9C20]  }
0x169: {  	v7 =	vld [tilespmem:s19+$0x9C30]  }
0x16a: {  	v6 =	vld [tilespmem:s19+$0x9C40]  }
0x16b: {  	v5 =	vld [tilespmem:s19+$0x9C50]  }
0x16c: {  	v4 =	vld [tilespmem:s19+$0x9C60]  }
0x16d: {  	v3 =	vld [tilespmem:s19+$0x9C70]  }
0x16e: {  	v18 =	vld [tilespmem:s19+$0x2800]  }
0x16f: {  	v20 =	vld [tilespmem:s19+$0x2810]  }
0x170: {  	v21 =	vld [tilespmem:s19+$0x2820]  }
0x171: {  	v22 =	vld [tilespmem:s19+$0x2830]  }
0x172: {  	v23 =	vld [tilespmem:s19+$0x2840]  }
0x173: {  	v10 =	vadd.f32 v10, v18;
	v18 =	vld [tilespmem:s19+$0x2850]  }
0x174: {  	v11 =	vadd.f32 v11, v20;
	v20 =	vld [tilespmem:s19+$0x2860]  }
0x175: {  	v63 =	vld [tilespmem:s19+$0x2870];
	v12 =	vadd.f32 v12, v21;
	v10 =	vmul.f32 $5.000000000e-01, v10  }
0x176: {  	v24 =	vld [tilespmem:s19+$0x2C00];
	v22 =	vadd.f32 v13, v22;
	v11 =	vmul.f32 $5.000000000e-01, v11  }
0x177: {  	v14 =	vadd.f32 v14, v23;
	v13 =	vld [tilespmem:s19+$0x2C10];
	[tilespmem:s19+$0x2800] =	vst v10;
	v10 =	vmul.f32 $5.000000000e-01, v12  }
0x178: {  	[tilespmem:s19+$0x2810] =	vst v11;
	v11 =	vmul.f32 $5.000000000e-01, v22;
	v12 =	vld [tilespmem:s19+$0x2C20];
	v15 =	vadd.f32 v15, v18  }
0x179: {  	v14 =	vmul.f32 $5.000000000e-01, v14;
	v16 =	vadd.f32 v16, v20;
	[tilespmem:s19+$0x2820] =	vst v10;
	v10 =	vld [tilespmem:s19+$0x2C30]  }
0x17a: {  	v18 =	vadd.f32 v17, v63;
	[tilespmem:s19+$0x2830] =	vst v11;
	v11 =	vld [tilespmem:s19+$0x2C40];
	v15 =	vmul.f32 $5.000000000e-01, v15  }
0x17b: {  	s20 =	simm.s32 $0x80;
	s21 =	simm.s32 $0x100;
	s26 =	sadd.s32 $0x70, s18;
	[tilespmem:s19+$0x2840] =	vst v14;
	v14 =	vld [tilespmem:s19+$0x2C50];
	v17 =	vadd.f32 v19, v24;
	v16 =	vmul.f32 $5.000000000e-01, v16  }
.LBB2_3:
0x17c: {  	s22 =	sand.u32 $0x7800, s21;
	s23 =	sand.u32 $0x380, s20;
	p1 =	sne.s32 s21, $0x6F00;
	[tilespmem:s19+$0x2850] =	vst v15;
	v15 =	vmul.f32 $5.000000000e-01, v18;
	v9 =	vadd.f32 v9, v13;
	v13 =	vld [tilespmem:s19+$0x2C60]  }
0x17d: {  	s22 =	sor.u32 s23, s22;
	[tilespmem:s19+$0x2860] =	vst v16;
	v16 =	vmul.f32 $5.000000000e-01, v17;
	v8 =	vadd.f32 v8, v12;
	v12 =	vld [tilespmem:s19+$0x2C70]  }
0x17e: {  	v17 =	vld [tilespmem:s22+$0x9800];
	[tilespmem:s19+$0x2870] =	vst v15;
	v9 =	vmul.f32 $5.000000000e-01, v9;
	v7 =	vadd.f32 v7, v10  }
0x17f: {  	v10 =	vld [tilespmem:s22+$0x9810];
	[tilespmem:s19+$0x2C00] =	vst v16;
	v8 =	vmul.f32 $5.000000000e-01, v8;
	v6 =	vadd.f32 v6, v11  }
0x180: {  	v11 =	vld [tilespmem:s22+$0x9820];
	[tilespmem:s19+$0x2C10] =	vst v9;
	v7 =	vmul.f32 $5.000000000e-01, v7;
	v5 =	vadd.f32 v5, v14  }
0x181: {  	v14 =	vld [tilespmem:s22+$0x9830];
	[tilespmem:s19+$0x2C20] =	vst v8;
	v6 =	vmul.f32 $5.000000000e-01, v6;
	v4 =	vadd.f32 v4, v13  }
0x182: {  	v13 =	vld [tilespmem:s22+$0x9840];
	[tilespmem:s19+$0x2C30] =	vst v7;
	v5 =	vmul.f32 $5.000000000e-01, v5;
	v3 =	vadd.f32 v3, v12  }
0x183: {  	v12 =	vld [tilespmem:s22+$0x9850];
	[tilespmem:s19+$0x2C40] =	vst v6;
	v4 =	vmul.f32 $5.000000000e-01, v4  }
0x184: {  	v15 =	vld [tilespmem:s22+$0x9860];
	[tilespmem:s19+$0x2C50] =	vst v5;
	v3 =	vmul.f32 $5.000000000e-01, v3  }
0x185: {  	v16 =	vld [tilespmem:s22+$0x9870];
	[tilespmem:s19+$0x2C60] =	vst v4  }
0x186: {  	v19 =	vld [tilespmem:s22+$0x9C00];
	[tilespmem:s19+$0x2C70] =	vst v3;
	s19 =	smov.u32 s22  }
0x187: {  	v9 =	vld [tilespmem:s19+$0x9C10]  }
0x188: {  	v8 =	vld [tilespmem:s19+$0x9C20]  }
0x189: {  	v7 =	vld [tilespmem:s19+$0x9C30]  }
0x18a: {  	v6 =	vld [tilespmem:s19+$0x9C40]  }
0x18b: {  	v5 =	vld [tilespmem:s19+$0x9C50]  }
0x18c: {  	v4 =	vld [tilespmem:s19+$0x9C60]  }
0x18d: {  	v3 =	vld [tilespmem:s19+$0x9C70]  }
0x18e: {  	v18 =	vld [tilespmem:s19+$0x2800]  }
0x18f: {  	v20 =	vld [tilespmem:s19+$0x2810]  }
0x190: {  	v21 =	vld [tilespmem:s19+$0x2820]  }
0x191: {  	v22 =	vld [tilespmem:s19+$0x2830]  }
0x192: {  	v23 =	vld [tilespmem:s19+$0x2840]  }
0x193: {  	v17 =	vadd.f32 v17, v18;
	v18 =	vld [tilespmem:s19+$0x2850]  }
0x194: {  	v10 =	vadd.f32 v10, v20;
	v20 =	vld [tilespmem:s19+$0x2860]  }
0x195: {  	v17 =	vmul.f32 $5.000000000e-01, v17;
	v11 =	vadd.f32 v11, v21;
	v21 =	vld [tilespmem:s19+$0x2870]  }
0x196: {  	v10 =	vmul.f32 $5.000000000e-01, v10;
	v14 =	vadd.f32 v14, v22;
	v22 =	vld [tilespmem:s19+$0x2C00]  }
.Ltmp0:
0x197: {  	[tilespmem:s19+$0x2800] =	vst v17;
	v11 =	vmul.f32 $5.000000000e-01, v11;
	v17 =	vadd.f32 v13, v23;
	v13 =	vld [tilespmem:s19+$0x2C10];
	(pc) =	sbr.rel @p1 .LBB2_3-.Ltmp0, $4  }
0x198: {  	[tilespmem:s19+$0x2810] =	vst v10;
	v14 =	vmul.f32 $5.000000000e-01, v14;
	v18 =	vadd.f32 v12, v18;
	v12 =	vld [tilespmem:s19+$0x2C20]  }
0x199: {  	[tilespmem:s19+$0x2820] =	vst v11;
	v17 =	vmul.f32 $5.000000000e-01, v17;
	v20 =	vadd.f32 v15, v20;
	v10 =	vld [tilespmem:s19+$0x2C30]  }
0x19a: {  	[tilespmem:s19+$0x2830] =	vst v14;
	v15 =	vmul.f32 $5.000000000e-01, v18;
	v18 =	vadd.f32 v16, v21;
	v11 =	vld [tilespmem:s19+$0x2C40]  }
0x19b: {  	s20 =	sadd.s32 $0x80, s20;
	s21 =	sadd.s32 $0x100, s21;
	[tilespmem:s19+$0x2840] =	vst v17;
	v16 =	vmul.f32 $5.000000000e-01, v20;
	v17 =	vadd.f32 v19, v22;
	v14 =	vld [tilespmem:s19+$0x2C50]  }
0x19c: {  	[tilespmem:s19+$0x2850] =	vst v15;
	v60 =	vmul.f32 $5.000000000e-01, v18;
	v9 =	vadd.f32 v9, v13;
	v61 =	vld [tilespmem:s19+$0x2C60]  }
0x19d: {  	v63 =	vld [tilespmem:s19+$0x2C70];
	[tilespmem:s19+$0x2860] =	vst v16;
	v62 =	vmul.f32 $5.000000000e-01, v17;
	v8 =	vadd.f32 v8, v12  }
0x19e: {  	[tilespmem:s19+$0x2870] =	vst v60;
	v9 =	vmul.f32 $5.000000000e-01, v9;
	v7 =	vadd.f32 v7, v10  }
0x19f: {  	[tilespmem:s19+$0x2C00] =	vst v62;
	v8 =	vmul.f32 $5.000000000e-01, v8;
	v6 =	vadd.f32 v6, v11  }
0x1a0: {  	[tilespmem:s19+$0x2C10] =	vst v9;
	v7 =	vmul.f32 $5.000000000e-01, v7;
	v5 =	vadd.f32 v5, v14  }
0x1a1: {  	[tilespmem:s19+$0x2C20] =	vst v8;
	v6 =	vmul.f32 $5.000000000e-01, v6;
	v4 =	vadd.f32 v4, v61  }
0x1a2: {  	v3 =	vadd.f32 v3, v63;
	[tilespmem:s19+$0x2C30] =	vst v7;
	v5 =	vmul.f32 $5.000000000e-01, v5  }
0x1a3: {  	[tilespmem:s19+$0x2C40] =	vst v6;
	v4 =	vmul.f32 $5.000000000e-01, v4  }
0x1a4: {  	s20 =	sadd.s32 s10, s18;
	v3 =	vmul.f32 $5.000000000e-01, v3;
	[tilespmem:s19+$0x2C50] =	vst v5  }
0x1a5: {  	s20 =	sshll.u32 s20, $0x5;
	[tilespmem:s19+$0x2C60] =	vst v4  }
0x1a6: {  	s23 =	sadd.s32 s3, s20;
	[tilespmem:s19+$0x2C70] =	vst v3  }
0x1a7: {  	[hbm4b:s23+s4] =	stream.linear.scatter [tilespmem:s17], [sflag:$0x3], $0x7000, $0x38;
	[tilespmem:$0x1E800] =	vst v63  }
0x1a8: {  	_ =	swait.ge [sflag:s14], $0x7000  }
0x1a9: {  	[sflag:s14] =	ssyncset.done $0x0  }
0x1aa: {  	[sflag:s14] =	ssyncadd.s32 $0xFFFF9000  }
0x1ab: {  	p1 =	seq.s32 s15, $0x15;
	_ =	swait.ge [sflag:s14], $0x7000  }
.Ltmp1:
0x1ac: {  	[sflag:s14] =	ssyncset.done $0x0;
	(pc) =	sbr.rel @p1 .LBB2_6-.Ltmp1, $4  }
0x1ad: {  	[sflag:s14] =	ssyncadd.s32 $0xFFFF9000  }
0x1ae: {  	_ =	swait.ge [sflag:s8], $0x7000  }
0x1af: {  	[sflag:s8] =	ssyncset.done $0x0  }
0x1b0: {  	[sflag:s8] =	ssyncadd.s32 $0xFFFF9000  }
0x1b1: {  	v3 =	vld [tilespmem:s18+$0xE0];
	_ =	sdelay $0x4  }
0x1b2: {  	v4 =	vshll.u32 v3, $0x1  }
0x1b3: {  	v3 =	vand.u32 $0x7, v3;
	v4 =	vand.u32 $0xFFFFFFF0, v4  }
0x1b4: {  	v3 =	vor.u32 v3, v4  }
0x1b5: {  	v4 =	vperm.xlane v3, v0;
	_ =	sdelay $0x1  }
0x1b6: {  	v3 =	vperm.xlane v3, v2;
	v4 =	vadd.s32 v1, v4;
	_ =	sdelay $0x1  }
0x1b7: {  	v3 =	vadd.s32 v1, v3;
	_ =	sdelay $0x2  }
0x1b8: {  	[tilespmem:s17], [sflag:$0x1] =	stream.indirect_vreg.gather [hbm4b:s1+s4], $0x80, v4, vm0, $0xb8;
	[tilespmem:$0x1E800] =	vst v63  }
0x1b9: {  	s19 =	simm.s32 $0x3000  }
0x1ba: {  	[tilespmem:s19], [sflag:$0x1] =	stream.indirect_vreg.gather [hbm4b:s1+s4], $0x80, v3, vm0, $0xb8;
	[tilespmem:$0x1E800] =	vst v63  }
0x1bb: {  	v3 =	vld [tilespmem:s18+$0xF0];
	_ =	sdelay $0x4  }
0x1bc: {  	v51 =	vshll.u32 v3, $0x1  }
0x1bd: {  	v3 =	vand.u32 $0x7, v3;
	v4 =	vand.u32 $0xFFFFFFF0, v51  }
0x1be: {  	v3 =	vor.u32 v3, v4  }
0x1bf: {  	v4 =	vperm.xlane v3, v0;
	_ =	sdelay $0x1  }
0x1c0: {  	v3 =	vperm.xlane v3, v2;
	v4 =	vadd.s32 v1, v4;
	_ =	sdelay $0x1  }
0x1c1: {  	v3 =	vadd.s32 v1, v3;
	_ =	sdelay $0x1  }
0x1c2: {  	s22 =	simm.s32 $0x3800  }
0x1c3: {  	[tilespmem:s22], [sflag:$0x1] =	stream.indirect_vreg.gather [hbm4b:s1+s4], $0x80, v4, vm0, $0xb8;
	[tilespmem:$0x1E800] =	vst v63  }
0x1c4: {  	s23 =	simm.s32 $0x4000  }
0x1c5: {  	[tilespmem:s23], [sflag:$0x1] =	stream.indirect_vreg.gather [hbm4b:s1+s4], $0x80, v3, vm0, $0xb8;
	[tilespmem:$0x1E800] =	vst v63  }
0x1c6: {  	v3 =	vld [tilespmem:s18+$0x100];
	_ =	sdelay $0x4  }
0x1c7: {  	v52 =	vshll.u32 v3, $0x1  }
0x1c8: {  	v3 =	vand.u32 $0x7, v3;
	v4 =	vand.u32 $0xFFFFFFF0, v52  }
0x1c9: {  	v3 =	vor.u32 v3, v4  }
0x1ca: {  	v4 =	vperm.xlane v3, v0;
	_ =	sdelay $0x1  }
0x1cb: {  	v3 =	vperm.xlane v3, v2;
	v4 =	vadd.s32 v1, v4;
	_ =	sdelay $0x1  }
0x1cc: {  	v3 =	vadd.s32 v1, v3;
	_ =	sdelay $0x1  }
0x1cd: {  	s20 =	simm.s32 $0x4800  }
0x1ce: {  	[tilespmem:s20], [sflag:$0x1] =	stream.indirect_vreg.gather [hbm4b:s1+s4], $0x80, v4, vm0, $0xb8;
	[tilespmem:$0x1E800] =	vst v63  }
0x1cf: {  	s21 =	simm.s32 $0x5000  }
0x1d0: {  	[tilespmem:s21], [sflag:$0x1] =	stream.indirect_vreg.gather [hbm4b:s1+s4], $0x80, v3, vm0, $0xb8;
	[tilespmem:$0x1E800] =	vst v63  }
0x1d1: {  	v3 =	vld [tilespmem:s18+$0x110];
	_ =	sdelay $0x4  }
0x1d2: {  	v53 =	vshll.u32 v3, $0x1  }
0x1d3: {  	v3 =	vand.u32 $0x7, v3;
	v4 =	vand.u32 $0xFFFFFFF0, v53  }
0x1d4: {  	v3 =	vor.u32 v3, v4  }
0x1d5: {  	v4 =	vperm.xlane v3, v0;
	_ =	sdelay $0x1  }
0x1d6: {  	v3 =	vperm.xlane v3, v2;
	v4 =	vadd.s32 v1, v4;
	_ =	sdelay $0x1  }
0x1d7: {  	v3 =	vadd.s32 v1, v3;
	_ =	sdelay $0x1  }
0x1d8: {  	s22 =	simm.s32 $0x5800  }
0x1d9: {  	[tilespmem:s22], [sflag:$0x1] =	stream.indirect_vreg.gather [hbm4b:s1+s4], $0x80, v4, vm0, $0xb8;
	[tilespmem:$0x1E800] =	vst v63  }
0x1da: {  	s23 =	simm.s32 $0x6000  }
0x1db: {  	[tilespmem:s23], [sflag:$0x1] =	stream.indirect_vreg.gather [hbm4b:s1+s4], $0x80, v3, vm0, $0xb8;
	[tilespmem:$0x1E800] =	vst v63  }
0x1dc: {  	v3 =	vld [tilespmem:s18+$0x120];
	_ =	sdelay $0x4  }
0x1dd: {  	v54 =	vshll.u32 v3, $0x1  }
0x1de: {  	v3 =	vand.u32 $0x7, v3;
	v4 =	vand.u32 $0xFFFFFFF0, v54  }
0x1df: {  	v3 =	vor.u32 v3, v4  }
0x1e0: {  	v4 =	vperm.xlane v3, v0;
	_ =	sdelay $0x1  }
0x1e1: {  	v3 =	vperm.xlane v3, v2;
	v4 =	vadd.s32 v1, v4;
	_ =	sdelay $0x1  }
0x1e2: {  	v3 =	vadd.s32 v1, v3;
	_ =	sdelay $0x1  }
0x1e3: {  	s20 =	simm.s32 $0x6800  }
0x1e4: {  	[tilespmem:s20], [sflag:$0x1] =	stream.indirect_vreg.gather [hbm4b:s1+s4], $0x80, v4, vm0, $0xb8;
	[tilespmem:$0x1E800] =	vst v63  }
0x1e5: {  	s21 =	simm.s32 $0x7000  }
0x1e6: {  	[tilespmem:s21], [sflag:$0x1] =	stream.indirect_vreg.gather [hbm4b:s1+s4], $0x80, v3, vm0, $0xb8;
	[tilespmem:$0x1E800] =	vst v63  }
0x1e7: {  	v3 =	vld [tilespmem:s18+$0x130];
	_ =	sdelay $0x4  }
0x1e8: {  	v55 =	vshll.u32 v3, $0x1  }
0x1e9: {  	v3 =	vand.u32 $0x7, v3;
	v4 =	vand.u32 $0xFFFFFFF0, v55  }
0x1ea: {  	v3 =	vor.u32 v3, v4  }
0x1eb: {  	v4 =	vperm.xlane v3, v0;
	_ =	sdelay $0x1  }
0x1ec: {  	v3 =	vperm.xlane v3, v2;
	v4 =	vadd.s32 v1, v4;
	_ =	sdelay $0x1  }
0x1ed: {  	v3 =	vadd.s32 v1, v3;
	_ =	sdelay $0x1  }
0x1ee: {  	s22 =	simm.s32 $0x7800  }
0x1ef: {  	[tilespmem:s22], [sflag:$0x1] =	stream.indirect_vreg.gather [hbm4b:s1+s4], $0x80, v4, vm0, $0xb8;
	[tilespmem:$0x1E800] =	vst v63  }
0x1f0: {  	s23 =	simm.s32 $0x8000  }
0x1f1: {  	[tilespmem:s23], [sflag:$0x1] =	stream.indirect_vreg.gather [hbm4b:s1+s4], $0x80, v3, vm0, $0xb8;
	[tilespmem:$0x1E800] =	vst v63  }
0x1f2: {  	v3 =	vld [tilespmem:s18+$0x140];
	_ =	sdelay $0x4  }
0x1f3: {  	v56 =	vshll.u32 v3, $0x1  }
0x1f4: {  	v3 =	vand.u32 $0x7, v3;
	v4 =	vand.u32 $0xFFFFFFF0, v56  }
0x1f5: {  	v3 =	vor.u32 v3, v4  }
0x1f6: {  	v4 =	vperm.xlane v3, v0;
	_ =	sdelay $0x1  }
0x1f7: {  	v3 =	vperm.xlane v3, v2;
	v4 =	vadd.s32 v1, v4;
	_ =	sdelay $0x1  }
0x1f8: {  	v3 =	vadd.s32 v1, v3;
	_ =	sdelay $0x1  }
0x1f9: {  	s20 =	simm.s32 $0x8800  }
0x1fa: {  	[tilespmem:s20], [sflag:$0x1] =	stream.indirect_vreg.gather [hbm4b:s1+s4], $0x80, v4, vm0, $0xb8;
	[tilespmem:$0x1E800] =	vst v63  }
0x1fb: {  	s21 =	simm.s32 $0x9000  }
0x1fc: {  	[tilespmem:s21], [sflag:$0x1] =	stream.indirect_vreg.gather [hbm4b:s1+s4], $0x80, v3, vm0, $0xb8;
	[tilespmem:$0x1E800] =	vst v63  }
0x1fd: {  	v3 =	vld [tilespmem:s18+$0x14E0];
	_ =	sdelay $0x4  }
0x1fe: {  	v57 =	vshll.u32 v3, $0x1  }
0x1ff: {  	v3 =	vand.u32 $0x7, v3;
	v4 =	vand.u32 $0xFFFFFFF0, v57  }
0x200: {  	v3 =	vor.u32 v3, v4  }
0x201: {  	v4 =	vperm.xlane v3, v0;
	_ =	sdelay $0x1  }
0x202: {  	v3 =	vperm.xlane v3, v2;
	v4 =	vadd.s32 v1, v4;
	_ =	sdelay $0x1  }
0x203: {  	v3 =	vadd.s32 v1, v3;
	_ =	sdelay $0x1  }
0x204: {  	s22 =	simm.s32 $0x9800  }
0x205: {  	[tilespmem:s22], [sflag:$0x1] =	stream.indirect_vreg.gather [hbm4b:s1+s4], $0x80, v4, vm0, $0xb8;
	[tilespmem:$0x1E800] =	vst v63  }
0x206: {  	s23 =	simm.s32 $0xA000  }
0x207: {  	[tilespmem:s23], [sflag:$0x1] =	stream.indirect_vreg.gather [hbm4b:s1+s4], $0x80, v3, vm0, $0xb8;
	[tilespmem:$0x1E800] =	vst v63  }
0x208: {  	v3 =	vld [tilespmem:s18+$0x14F0];
	_ =	sdelay $0x4  }
0x209: {  	v58 =	vshll.u32 v3, $0x1  }
0x20a: {  	v3 =	vand.u32 $0x7, v3;
	v4 =	vand.u32 $0xFFFFFFF0, v58  }
0x20b: {  	v3 =	vor.u32 v3, v4  }
0x20c: {  	v4 =	vperm.xlane v3, v0;
	_ =	sdelay $0x1  }
0x20d: {  	v3 =	vperm.xlane v3, v2;
	v4 =	vadd.s32 v1, v4;
	_ =	sdelay $0x1  }
0x20e: {  	v3 =	vadd.s32 v1, v3;
	_ =	sdelay $0x1  }
0x20f: {  	s20 =	simm.s32 $0xA800  }
0x210: {  	[tilespmem:s20], [sflag:$0x1] =	stream.indirect_vreg.gather [hbm4b:s1+s4], $0x80, v4, vm0, $0xb8;
	[tilespmem:$0x1E800] =	vst v63  }
0x211: {  	s21 =	simm.s32 $0xB000  }
0x212: {  	[tilespmem:s21], [sflag:$0x1] =	stream.indirect_vreg.gather [hbm4b:s1+s4], $0x80, v3, vm0, $0xb8;
	[tilespmem:$0x1E800] =	vst v63  }
0x213: {  	v3 =	vld [tilespmem:s18+$0x1500];
	_ =	sdelay $0x4  }
0x214: {  	v59 =	vshll.u32 v3, $0x1  }
0x215: {  	v3 =	vand.u32 $0x7, v3;
	v4 =	vand.u32 $0xFFFFFFF0, v59  }
0x216: {  	v3 =	vor.u32 v3, v4  }
0x217: {  	v4 =	vperm.xlane v3, v0;
	_ =	sdelay $0x1  }
0x218: {  	v3 =	vperm.xlane v3, v2;
	v4 =	vadd.s32 v1, v4;
	_ =	sdelay $0x1  }
0x219: {  	v3 =	vadd.s32 v1, v3;
	_ =	sdelay $0x1  }
0x21a: {  	s22 =	simm.s32 $0xB800  }
0x21b: {  	[tilespmem:s22], [sflag:$0x1] =	stream.indirect_vreg.gather [hbm4b:s1+s4], $0x80, v4, vm0, $0xb8;
	[tilespmem:$0x1E800] =	vst v63  }
0x21c: {  	s23 =	simm.s32 $0xC000  }
0x21d: {  	[tilespmem:s23], [sflag:$0x1] =	stream.indirect_vreg.gather [hbm4b:s1+s4], $0x80, v3, vm0, $0xb8;
	[tilespmem:$0x1E800] =	vst v63  }
0x21e: {  	v3 =	vld [tilespmem:s18+$0x1510];
	_ =	sdelay $0x4  }
0x21f: {  	v60 =	vshll.u32 v3, $0x1  }
0x220: {  	v3 =	vand.u32 $0x7, v3;
	v4 =	vand.u32 $0xFFFFFFF0, v60  }
0x221: {  	v3 =	vor.u32 v3, v4  }
0x222: {  	v4 =	vperm.xlane v3, v0;
	_ =	sdelay $0x1  }
0x223: {  	v3 =	vperm.xlane v3, v2;
	v4 =	vadd.s32 v1, v4;
	_ =	sdelay $0x1  }
0x224: {  	v3 =	vadd.s32 v1, v3;
	_ =	sdelay $0x1  }
0x225: {  	s20 =	simm.s32 $0xC800  }
0x226: {  	[tilespmem:s20], [sflag:$0x1] =	stream.indirect_vreg.gather [hbm4b:s1+s4], $0x80, v4, vm0, $0xb8;
	[tilespmem:$0x1E800] =	vst v63  }
0x227: {  	s21 =	simm.s32 $0xD000  }
0x228: {  	[tilespmem:s21], [sflag:$0x1] =	stream.indirect_vreg.gather [hbm4b:s1+s4], $0x80, v3, vm0, $0xb8;
	[tilespmem:$0x1E800] =	vst v63  }
0x229: {  	v3 =	vld [tilespmem:s18+$0x1520];
	_ =	sdelay $0x4  }
0x22a: {  	v61 =	vshll.u32 v3, $0x1  }
0x22b: {  	v3 =	vand.u32 $0x7, v3;
	v4 =	vand.u32 $0xFFFFFFF0, v61  }
0x22c: {  	v3 =	vor.u32 v3, v4  }
0x22d: {  	v4 =	vperm.xlane v3, v0;
	_ =	sdelay $0x1  }
0x22e: {  	v3 =	vperm.xlane v3, v2;
	v4 =	vadd.s32 v1, v4;
	_ =	sdelay $0x1  }
0x22f: {  	v3 =	vadd.s32 v1, v3;
	_ =	sdelay $0x1  }
0x230: {  	s22 =	simm.s32 $0xD800  }
0x231: {  	[tilespmem:s22], [sflag:$0x1] =	stream.indirect_vreg.gather [hbm4b:s1+s4], $0x80, v4, vm0, $0xb8;
	[tilespmem:$0x1E800] =	vst v63  }
0x232: {  	s23 =	simm.s32 $0xE000  }
0x233: {  	[tilespmem:s23], [sflag:$0x1] =	stream.indirect_vreg.gather [hbm4b:s1+s4], $0x80, v3, vm0, $0xb8;
	[tilespmem:$0x1E800] =	vst v63  }
0x234: {  	v3 =	vld [tilespmem:s18+$0x1530];
	_ =	sdelay $0x4  }
0x235: {  	v62 =	vshll.u32 v3, $0x1  }
0x236: {  	v3 =	vand.u32 $0x7, v3;
	v4 =	vand.u32 $0xFFFFFFF0, v62  }
0x237: {  	v3 =	vor.u32 v3, v4  }
0x238: {  	v4 =	vperm.xlane v3, v0;
	_ =	sdelay $0x1  }
0x239: {  	v3 =	vperm.xlane v3, v2;
	v4 =	vadd.s32 v1, v4;
	_ =	sdelay $0x1  }
0x23a: {  	v3 =	vadd.s32 v1, v3;
	_ =	sdelay $0x1  }
0x23b: {  	s20 =	simm.s32 $0xE800  }
0x23c: {  	[tilespmem:s20], [sflag:$0x1] =	stream.indirect_vreg.gather [hbm4b:s1+s4], $0x80, v4, vm0, $0xb8;
	[tilespmem:$0x1E800] =	vst v63  }
0x23d: {  	s21 =	simm.s32 $0xF000  }
0x23e: {  	[tilespmem:s21], [sflag:$0x1] =	stream.indirect_vreg.gather [hbm4b:s1+s4], $0x80, v3, vm0, $0xb8;
	[tilespmem:$0x1E800] =	vst v63  }
0x23f: {  	v3 =	vld [tilespmem:s18+$0x1540];
	_ =	sdelay $0x4  }
0x240: {  	v63 =	vshll.u32 v3, $0x1  }
0x241: {  	v3 =	vand.u32 $0x7, v3;
	v4 =	vand.u32 $0xFFFFFFF0, v63  }
0x242: {  	v3 =	vor.u32 v3, v4  }
0x243: {  	v4 =	vperm.xlane v3, v0;
	_ =	sdelay $0x1  }
0x244: {  	v3 =	vperm.xlane v3, v2;
	v4 =	vadd.s32 v1, v4;
	_ =	sdelay $0x1  }
0x245: {  	v3 =	vadd.s32 v1, v3;
	_ =	sdelay $0x1  }
0x246: {  	s22 =	simm.s32 $0xF800  }
0x247: {  	[tilespmem:s22], [sflag:$0x1] =	stream.indirect_vreg.gather [hbm4b:s1+s4], $0x80, v4, vm0, $0xb8;
	[tilespmem:$0x1E800] =	vst v63  }
0x248: {  	s23 =	simm.s32 $0x10000  }
0x249: {  	[tilespmem:s23], [sflag:$0x1] =	stream.indirect_vreg.gather [hbm4b:s1+s4], $0x80, v3, vm0, $0xb8;
	[tilespmem:$0x1E800] =	vst v63  }
.LBB2_6:
0x24a: {  	s18 =	simm.s32 $0x0  }
0x24b: {  	s19 =	sand.u32 $0x7800, s18;
	s18 =	sand.u32 $0x380, s18  }
0x24c: {  	s18 =	sor.u32 s18, s19  }
0x24d: {  	v10 =	vld [tilespmem:s18+$0x17800]  }
0x24e: {  	v11 =	vld [tilespmem:s18+$0x17810]  }
0x24f: {  	v12 =	vld [tilespmem:s18+$0x17820]  }
0x250: {  	v13 =	vld [tilespmem:s18+$0x17830]  }
0x251: {  	v14 =	vld [tilespmem:s18+$0x17840]  }
0x252: {  	v15 =	vld [tilespmem:s18+$0x17850]  }
0x253: {  	v16 =	vld [tilespmem:s18+$0x17860]  }
0x254: {  	v18 =	vld [tilespmem:s18+$0x17870]  }
0x255: {  	v19 =	vld [tilespmem:s18+$0x17C00]  }
0x256: {  	v9 =	vld [tilespmem:s18+$0x17C10]  }
0x257: {  	v8 =	vld [tilespmem:s18+$0x17C20]  }
0x258: {  	v7 =	vld [tilespmem:s18+$0x17C30]  }
0x259: {  	v6 =	vld [tilespmem:s18+$0x17C40]  }
0x25a: {  	v5 =	vld [tilespmem:s18+$0x17C50]  }
0x25b: {  	v4 =	vld [tilespmem:s18+$0x17C60]  }
0x25c: {  	v3 =	vld [tilespmem:s18+$0x17C70]  }
0x25d: {  	v17 =	vld [tilespmem:s18+$0x10800]  }
0x25e: {  	v20 =	vld [tilespmem:s18+$0x10810]  }
0x25f: {  	v21 =	vld [tilespmem:s18+$0x10820]  }
0x260: {  	v22 =	vld [tilespmem:s18+$0x10830]  }
0x261: {  	v23 =	vld [tilespmem:s18+$0x10840]  }
0x262: {  	v10 =	vadd.f32 v10, v17;
	v17 =	vld [tilespmem:s18+$0x10850]  }
0x263: {  	v11 =	vadd.f32 v11, v20;
	v20 =	vld [tilespmem:s18+$0x10860]  }
0x264: {  	v63 =	vld [tilespmem:s18+$0x10870];
	v12 =	vadd.f32 v12, v21;
	v10 =	vmul.f32 $5.000000000e-01, v10  }
0x265: {  	v24 =	vld [tilespmem:s18+$0x10C00];
	v22 =	vadd.f32 v13, v22;
	v11 =	vmul.f32 $5.000000000e-01, v11  }
0x266: {  	v14 =	vadd.f32 v14, v23;
	v13 =	vld [tilespmem:s18+$0x10C10];
	[tilespmem:s18+$0x10800] =	vst v10;
	v10 =	vmul.f32 $5.000000000e-01, v12  }
0x267: {  	[tilespmem:s18+$0x10810] =	vst v11;
	v11 =	vmul.f32 $5.000000000e-01, v22;
	v12 =	vld [tilespmem:s18+$0x10C20];
	v15 =	vadd.f32 v15, v17  }
0x268: {  	v14 =	vmul.f32 $5.000000000e-01, v14;
	v16 =	vadd.f32 v16, v20;
	[tilespmem:s18+$0x10820] =	vst v10;
	v10 =	vld [tilespmem:s18+$0x10C30]  }
0x269: {  	v18 =	vadd.f32 v18, v63;
	[tilespmem:s18+$0x10830] =	vst v11;
	v11 =	vld [tilespmem:s18+$0x10C40];
	v17 =	vmul.f32 $5.000000000e-01, v15  }
0x26a: {  	s20 =	simm.s32 $0x100;
	s19 =	simm.s32 $0x80;
	[tilespmem:s18+$0x10840] =	vst v14;
	v14 =	vld [tilespmem:s18+$0x10C50];
	v15 =	vmul.f32 $5.000000000e-01, v16;
	v16 =	vadd.f32 v19, v24  }
.LBB2_7:
0x26b: {  	s21 =	sand.u32 $0x7800, s20;
	s22 =	sand.u32 $0x380, s19;
	p1 =	sne.s32 s20, $0x6F00;
	[tilespmem:s18+$0x10850] =	vst v17;
	v17 =	vmul.f32 $5.000000000e-01, v18;
	v9 =	vadd.f32 v9, v13;
	v13 =	vld [tilespmem:s18+$0x10C60]  }
0x26c: {  	s21 =	sor.u32 s22, s21;
	[tilespmem:s18+$0x10860] =	vst v15;
	v15 =	vmul.f32 $5.000000000e-01, v16;
	v8 =	vadd.f32 v8, v12;
	v12 =	vld [tilespmem:s18+$0x10C70]  }
0x26d: {  	v16 =	vld [tilespmem:s21+$0x17800];
	[tilespmem:s18+$0x10870] =	vst v17;
	v9 =	vmul.f32 $5.000000000e-01, v9;
	v7 =	vadd.f32 v7, v10  }
0x26e: {  	v10 =	vld [tilespmem:s21+$0x17810];
	[tilespmem:s18+$0x10C00] =	vst v15;
	v8 =	vmul.f32 $5.000000000e-01, v8;
	v6 =	vadd.f32 v6, v11  }
0x26f: {  	v11 =	vld [tilespmem:s21+$0x17820];
	[tilespmem:s18+$0x10C10] =	vst v9;
	v7 =	vmul.f32 $5.000000000e-01, v7;
	v5 =	vadd.f32 v5, v14  }
0x270: {  	v14 =	vld [tilespmem:s21+$0x17830];
	[tilespmem:s18+$0x10C20] =	vst v8;
	v6 =	vmul.f32 $5.000000000e-01, v6;
	v4 =	vadd.f32 v4, v13  }
0x271: {  	v13 =	vld [tilespmem:s21+$0x17840];
	[tilespmem:s18+$0x10C30] =	vst v7;
	v5 =	vmul.f32 $5.000000000e-01, v5;
	v3 =	vadd.f32 v3, v12  }
0x272: {  	v12 =	vld [tilespmem:s21+$0x17850];
	[tilespmem:s18+$0x10C40] =	vst v6;
	v4 =	vmul.f32 $5.000000000e-01, v4  }
0x273: {  	v15 =	vld [tilespmem:s21+$0x17860];
	[tilespmem:s18+$0x10C50] =	vst v5;
	v3 =	vmul.f32 $5.000000000e-01, v3  }
0x274: {  	v18 =	vld [tilespmem:s21+$0x17870];
	[tilespmem:s18+$0x10C60] =	vst v4  }
0x275: {  	v19 =	vld [tilespmem:s21+$0x17C00];
	[tilespmem:s18+$0x10C70] =	vst v3;
	s18 =	smov.u32 s21  }
0x276: {  	v9 =	vld [tilespmem:s18+$0x17C10]  }
0x277: {  	v8 =	vld [tilespmem:s18+$0x17C20]  }
0x278: {  	v7 =	vld [tilespmem:s18+$0x17C30]  }
0x279: {  	v6 =	vld [tilespmem:s18+$0x17C40]  }
0x27a: {  	v5 =	vld [tilespmem:s18+$0x17C50]  }
0x27b: {  	v4 =	vld [tilespmem:s18+$0x17C60]  }
0x27c: {  	v3 =	vld [tilespmem:s18+$0x17C70]  }
0x27d: {  	v17 =	vld [tilespmem:s18+$0x10800]  }
0x27e: {  	v20 =	vld [tilespmem:s18+$0x10810]  }
0x27f: {  	v21 =	vld [tilespmem:s18+$0x10820]  }
0x280: {  	v22 =	vld [tilespmem:s18+$0x10830]  }
0x281: {  	v23 =	vld [tilespmem:s18+$0x10840]  }
0x282: {  	v16 =	vadd.f32 v16, v17;
	v17 =	vld [tilespmem:s18+$0x10850]  }
0x283: {  	v10 =	vadd.f32 v10, v20;
	v20 =	vld [tilespmem:s18+$0x10860]  }
0x284: {  	v16 =	vmul.f32 $5.000000000e-01, v16;
	v11 =	vadd.f32 v11, v21;
	v21 =	vld [tilespmem:s18+$0x10870]  }
0x285: {  	v10 =	vmul.f32 $5.000000000e-01, v10;
	v14 =	vadd.f32 v14, v22;
	v22 =	vld [tilespmem:s18+$0x10C00]  }
.Ltmp2:
0x286: {  	[tilespmem:s18+$0x10800] =	vst v16;
	v11 =	vmul.f32 $5.000000000e-01, v11;
	v16 =	vadd.f32 v13, v23;
	v13 =	vld [tilespmem:s18+$0x10C10];
	(pc) =	sbr.rel @p1 .LBB2_7-.Ltmp2, $4  }
0x287: {  	[tilespmem:s18+$0x10810] =	vst v10;
	v14 =	vmul.f32 $5.000000000e-01, v14;
	v17 =	vadd.f32 v12, v17;
	v12 =	vld [tilespmem:s18+$0x10C20]  }
0x288: {  	[tilespmem:s18+$0x10820] =	vst v11;
	v16 =	vmul.f32 $5.000000000e-01, v16;
	v15 =	vadd.f32 v15, v20;
	v10 =	vld [tilespmem:s18+$0x10C30]  }
0x289: {  	[tilespmem:s18+$0x10830] =	vst v14;
	v17 =	vmul.f32 $5.000000000e-01, v17;
	v18 =	vadd.f32 v18, v21;
	v11 =	vld [tilespmem:s18+$0x10C40]  }
0x28a: {  	s19 =	sadd.s32 $0x80, s19;
	s20 =	sadd.s32 $0x100, s20;
	[tilespmem:s18+$0x10840] =	vst v16;
	v15 =	vmul.f32 $5.000000000e-01, v15;
	v16 =	vadd.f32 v19, v22;
	v14 =	vld [tilespmem:s18+$0x10C50]  }
0x28b: {  	[tilespmem:s18+$0x10850] =	vst v17;
	v60 =	vmul.f32 $5.000000000e-01, v18;
	v9 =	vadd.f32 v9, v13;
	v61 =	vld [tilespmem:s18+$0x10C60]  }
0x28c: {  	v63 =	vld [tilespmem:s18+$0x10C70];
	[tilespmem:s18+$0x10860] =	vst v15;
	v62 =	vmul.f32 $5.000000000e-01, v16;
	v8 =	vadd.f32 v8, v12  }
0x28d: {  	[tilespmem:s18+$0x10870] =	vst v60;
	v9 =	vmul.f32 $5.000000000e-01, v9;
	v7 =	vadd.f32 v7, v10  }
0x28e: {  	[tilespmem:s18+$0x10C00] =	vst v62;
	v8 =	vmul.f32 $5.000000000e-01, v8;
	v6 =	vadd.f32 v6, v11  }
0x28f: {  	[tilespmem:s18+$0x10C10] =	vst v9;
	v7 =	vmul.f32 $5.000000000e-01, v7;
	v5 =	vadd.f32 v5, v14  }
0x290: {  	s15 =	sadd.s32 $0x1, s15;
	[tilespmem:s18+$0x10C20] =	vst v8;
	v6 =	vmul.f32 $5.000000000e-01, v6;
	v4 =	vadd.f32 v4, v61  }
0x291: {  	p1 =	sne.s32 s15, $0x16;
	v3 =	vadd.f32 v3, v63;
	[tilespmem:s18+$0x10C30] =	vst v7;
	v5 =	vmul.f32 $5.000000000e-01, v5  }
.Ltmp3:
0x292: {  	[tilespmem:s18+$0x10C40] =	vst v6;
	v4 =	vmul.f32 $5.000000000e-01, v4;
	(pc) =	sbr.rel @p1 .LBB2_2-.Ltmp3, $4  }
0x293: {  	s19 =	sadd.s32 s10, s26;
	v3 =	vmul.f32 $5.000000000e-01, v3;
	[tilespmem:s18+$0x10C50] =	vst v5  }
0x294: {  	s19 =	sshll.u32 s19, $0x5;
	[tilespmem:s18+$0x10C60] =	vst v4  }
0x295: {  	s26 =	sadd.s32 s3, s19;
	[tilespmem:s18+$0x10C70] =	vst v3  }
0x296: {  	[hbm4b:s26+s4] =	stream.linear.scatter [tilespmem:s29], [sflag:$0x4], $0x7000, $0x38;
	[tilespmem:$0x1E800] =	vst v63  }
0x297: {  	v3 =	vld [tilespmem:$0x1340];
	_ =	sdelay $0x4  }
0x298: {  	v4 =	vshll.u32 v3, $0x1  }
0x299: {  	v3 =	vand.u32 $0x7, v3;
	v4 =	vand.u32 $0xFFFFFFF0, v4  }
0x29a: {  	v3 =	vor.u32 v3, v4  }
0x29b: {  	v4 =	vperm.xlane v3, v0;
	_ =	sdelay $0x1  }
0x29c: {  	v3 =	vperm.xlane v3, v2;
	v4 =	vadd.s32 v1, v4;
	_ =	sdelay $0x1  }
0x29d: {  	v3 =	vadd.s32 v1, v3;
	_ =	sdelay $0x1  }
0x29e: {  	s15 =	simm.s32 $0x0  }
0x29f: {  	[tilespmem:s17], [sflag:$0x1] =	stream.indirect_vreg.gather [hbm4b:s1+s15], $0x80, v4, vm0, $0xb8;
	[tilespmem:$0x1E800] =	vst v63  }
0x2a0: {  	s18 =	simm.s32 $0x3000  }
0x2a1: {  	[tilespmem:s18], [sflag:$0x1] =	stream.indirect_vreg.gather [hbm4b:s1+s15], $0x80, v3, vm0, $0xb8;
	[tilespmem:$0x1E800] =	vst v63  }
0x2a2: {  	v3 =	vld [tilespmem:$0x1350];
	_ =	sdelay $0x4  }
0x2a3: {  	v4 =	vshll.u32 v3, $0x1  }
0x2a4: {  	v3 =	vand.u32 $0x7, v3;
	v4 =	vand.u32 $0xFFFFFFF0, v4  }
0x2a5: {  	v3 =	vor.u32 v3, v4  }
0x2a6: {  	v4 =	vperm.xlane v3, v0;
	_ =	sdelay $0x1  }
0x2a7: {  	v3 =	vperm.xlane v3, v2;
	v4 =	vadd.s32 v1, v4;
	_ =	sdelay $0x1  }
0x2a8: {  	v3 =	vadd.s32 v1, v3;
	_ =	sdelay $0x1  }
0x2a9: {  	s19 =	simm.s32 $0x3800  }
0x2aa: {  	[tilespmem:s19], [sflag:$0x1] =	stream.indirect_vreg.gather [hbm4b:s1+s15], $0x80, v4, vm0, $0xb8;
	[tilespmem:$0x1E800] =	vst v63  }
0x2ab: {  	s20 =	simm.s32 $0x4000  }
0x2ac: {  	[tilespmem:s20], [sflag:$0x1] =	stream.indirect_vreg.gather [hbm4b:s1+s15], $0x80, v3, vm0, $0xb8;
	[tilespmem:$0x1E800] =	vst v63  }
0x2ad: {  	v3 =	vld [tilespmem:$0x1360];
	_ =	sdelay $0x4  }
0x2ae: {  	v4 =	vshll.u32 v3, $0x1  }
0x2af: {  	v3 =	vand.u32 $0x7, v3;
	v4 =	vand.u32 $0xFFFFFFF0, v4  }
0x2b0: {  	v3 =	vor.u32 v3, v4  }
0x2b1: {  	v4 =	vperm.xlane v3, v0;
	_ =	sdelay $0x1  }
0x2b2: {  	v3 =	vperm.xlane v3, v2;
	v4 =	vadd.s32 v1, v4;
	_ =	sdelay $0x1  }
0x2b3: {  	v3 =	vadd.s32 v1, v3;
	_ =	sdelay $0x1  }
0x2b4: {  	s21 =	simm.s32 $0x4800  }
0x2b5: {  	[tilespmem:s21], [sflag:$0x1] =	stream.indirect_vreg.gather [hbm4b:s1+s15], $0x80, v4, vm0, $0xb8;
	[tilespmem:$0x1E800] =	vst v63  }
0x2b6: {  	s22 =	simm.s32 $0x5000  }
0x2b7: {  	[tilespmem:s22], [sflag:$0x1] =	stream.indirect_vreg.gather [hbm4b:s1+s15], $0x80, v3, vm0, $0xb8;
	[tilespmem:$0x1E800] =	vst v63  }
0x2b8: {  	v3 =	vld [tilespmem:$0x1370];
	_ =	sdelay $0x4  }
0x2b9: {  	v4 =	vshll.u32 v3, $0x1  }
0x2ba: {  	v3 =	vand.u32 $0x7, v3;
	v4 =	vand.u32 $0xFFFFFFF0, v4  }
0x2bb: {  	v3 =	vor.u32 v3, v4  }
0x2bc: {  	v4 =	vperm.xlane v3, v0;
	_ =	sdelay $0x1  }
0x2bd: {  	v3 =	vperm.xlane v3, v2;
	v4 =	vadd.s32 v1, v4;
	_ =	sdelay $0x1  }
0x2be: {  	v3 =	vadd.s32 v1, v3;
	_ =	sdelay $0x1  }
0x2bf: {  	s23 =	simm.s32 $0x5800  }
0x2c0: {  	[tilespmem:s23], [sflag:$0x1] =	stream.indirect_vreg.gather [hbm4b:s1+s15], $0x80, v4, vm0, $0xb8;
	[tilespmem:$0x1E800] =	vst v63  }
0x2c1: {  	s26 =	simm.s32 $0x6000  }
0x2c2: {  	[tilespmem:s26], [sflag:$0x1] =	stream.indirect_vreg.gather [hbm4b:s1+s15], $0x80, v3, vm0, $0xb8;
	[tilespmem:$0x1E800] =	vst v63  }
0x2c3: {  	v3 =	vld.msk [tilespmem:$0x1380], $0xff;
	_ =	sdelay $0x4  }
0x2c4: {  	v4 =	vshll.u32 v3, $0x1  }
0x2c5: {  	v3 =	vand.u32 $0x7, v3;
	v4 =	vand.u32 $0xFFFFFFF0, v4  }
0x2c6: {  	v3 =	vor.u32 v3, v4  }
0x2c7: {  	v3 =	vperm.xlane v3, v0;
	_ =	sdelay $0x1  }
0x2c8: {  	v3 =	vadd.s32 v1, v3;
	_ =	sdelay $0x3  }
0x2c9: {  	s19 =	simm.s32 $0x6800  }
0x2ca: {  	[tilespmem:s19], [sflag:$0x1] =	stream.indirect_vreg.gather [hbm4b:s1+s15], $0x80, v3, vm0, $0xb8;
	[tilespmem:$0x1E800] =	vst v63  }
0x2cb: {  	v3 =	vld [tilespmem:$0x2740];
	_ =	sdelay $0x4  }
0x2cc: {  	v4 =	vshll.u32 v3, $0x1  }
0x2cd: {  	v3 =	vand.u32 $0x7, v3;
	v4 =	vand.u32 $0xFFFFFFF0, v4  }
0x2ce: {  	v3 =	vor.u32 v3, v4  }
0x2cf: {  	v4 =	vperm.xlane v3, v0;
	_ =	sdelay $0x1  }
0x2d0: {  	v3 =	vperm.xlane v3, v2;
	v4 =	vadd.s32 v1, v4;
	_ =	sdelay $0x1  }
0x2d1: {  	v3 =	vadd.s32 v1, v3;
	_ =	sdelay $0x1  }
0x2d2: {  	s20 =	simm.s32 $0x9800  }
0x2d3: {  	[tilespmem:s20], [sflag:$0x1] =	stream.indirect_vreg.gather [hbm4b:s1+s15], $0x80, v4, vm0, $0xb8;
	[tilespmem:$0x1E800] =	vst v63  }
0x2d4: {  	s21 =	simm.s32 $0xA000  }
0x2d5: {  	[tilespmem:s21], [sflag:$0x1] =	stream.indirect_vreg.gather [hbm4b:s1+s15], $0x80, v3, vm0, $0xb8;
	[tilespmem:$0x1E800] =	vst v63  }
0x2d6: {  	v3 =	vld [tilespmem:$0x2750];
	_ =	sdelay $0x4  }
0x2d7: {  	v4 =	vshll.u32 v3, $0x1  }
0x2d8: {  	v3 =	vand.u32 $0x7, v3;
	v4 =	vand.u32 $0xFFFFFFF0, v4  }
0x2d9: {  	v3 =	vor.u32 v3, v4  }
0x2da: {  	v4 =	vperm.xlane v3, v0;
	_ =	sdelay $0x1  }
0x2db: {  	v3 =	vperm.xlane v3, v2;
	v4 =	vadd.s32 v1, v4;
	_ =	sdelay $0x1  }
0x2dc: {  	v3 =	vadd.s32 v1, v3;
	_ =	sdelay $0x1  }
0x2dd: {  	s22 =	simm.s32 $0xA800  }
0x2de: {  	[tilespmem:s22], [sflag:$0x1] =	stream.indirect_vreg.gather [hbm4b:s1+s15], $0x80, v4, vm0, $0xb8;
	[tilespmem:$0x1E800] =	vst v63  }
0x2df: {  	s23 =	simm.s32 $0xB000  }
0x2e0: {  	[tilespmem:s23], [sflag:$0x1] =	stream.indirect_vreg.gather [hbm4b:s1+s15], $0x80, v3, vm0, $0xb8;
	[tilespmem:$0x1E800] =	vst v63  }
0x2e1: {  	v3 =	vld [tilespmem:$0x2760];
	_ =	sdelay $0x4  }
0x2e2: {  	v4 =	vshll.u32 v3, $0x1  }
0x2e3: {  	v3 =	vand.u32 $0x7, v3;
	v4 =	vand.u32 $0xFFFFFFF0, v4  }
0x2e4: {  	v3 =	vor.u32 v3, v4  }
0x2e5: {  	v4 =	vperm.xlane v3, v0;
	_ =	sdelay $0x1  }
0x2e6: {  	v3 =	vperm.xlane v3, v2;
	v4 =	vadd.s32 v1, v4;
	_ =	sdelay $0x1  }
0x2e7: {  	v3 =	vadd.s32 v1, v3;
	_ =	sdelay $0x1  }
0x2e8: {  	s26 =	simm.s32 $0xB800  }
0x2e9: {  	[tilespmem:s26], [sflag:$0x1] =	stream.indirect_vreg.gather [hbm4b:s1+s15], $0x80, v4, vm0, $0xb8;
	[tilespmem:$0x1E800] =	vst v63  }
0x2ea: {  	s19 =	simm.s32 $0xC000  }
0x2eb: {  	[tilespmem:s19], [sflag:$0x1] =	stream.indirect_vreg.gather [hbm4b:s1+s15], $0x80, v3, vm0, $0xb8;
	[tilespmem:$0x1E800] =	vst v63  }
0x2ec: {  	v3 =	vld [tilespmem:$0x2770];
	_ =	sdelay $0x4  }
0x2ed: {  	v4 =	vshll.u32 v3, $0x1  }
0x2ee: {  	v3 =	vand.u32 $0x7, v3;
	v4 =	vand.u32 $0xFFFFFFF0, v4  }
0x2ef: {  	v3 =	vor.u32 v3, v4  }
0x2f0: {  	v4 =	vperm.xlane v3, v0;
	_ =	sdelay $0x1  }
0x2f1: {  	v3 =	vperm.xlane v3, v2;
	v4 =	vadd.s32 v1, v4;
	_ =	sdelay $0x1  }
0x2f2: {  	v3 =	vadd.s32 v1, v3;
	_ =	sdelay $0x1  }
0x2f3: {  	s20 =	simm.s32 $0xC800  }
0x2f4: {  	[tilespmem:s20], [sflag:$0x1] =	stream.indirect_vreg.gather [hbm4b:s1+s15], $0x80, v4, vm0, $0xb8;
	[tilespmem:$0x1E800] =	vst v63  }
0x2f5: {  	s21 =	simm.s32 $0xD000  }
0x2f6: {  	[tilespmem:s21], [sflag:$0x1] =	stream.indirect_vreg.gather [hbm4b:s1+s15], $0x80, v3, vm0, $0xb8;
	[tilespmem:$0x1E800] =	vst v63  }
0x2f7: {  	v3 =	vld.msk [tilespmem:$0x2780], $0xff;
	_ =	sdelay $0x4  }
0x2f8: {  	v4 =	vshll.u32 v3, $0x1  }
0x2f9: {  	v3 =	vand.u32 $0x7, v3;
	v4 =	vand.u32 $0xFFFFFFF0, v4  }
0x2fa: {  	v3 =	vor.u32 v3, v4  }
0x2fb: {  	v3 =	vperm.xlane v3, v0;
	_ =	sdelay $0x1  }
0x2fc: {  	v3 =	vadd.s32 v1, v3;
	_ =	sdelay $0x3  }
0x2fd: {  	s22 =	simm.s32 $0xD800;
	s23 =	simm.s32 $0x4  }
0x2fe: {  	[tilespmem:s22], [sflag:$0x1] =	stream.indirect_vreg.gather [hbm4b:s1+s15], $0x80, v3, vm0, $0xb8;
	[tilespmem:$0x1E800] =	vst v63  }
0x2ff: {  	_ =	swait.ge [sflag:s23], $0x7000  }
0x300: {  	[sflag:s23] =	ssyncset.done $0x0  }
0x301: {  	[sflag:s23] =	ssyncadd.s32 $0xFFFF9000  }
0x302: {  	_ =	swait.ge [sflag:s28], $0x4800  }
0x303: {  	[sflag:s28] =	ssyncset.done $0x0  }
0x304: {  	[sflag:s28] =	ssyncadd.s32 $0xFFFFB800  }
0x305: {  	_ =	swait.ge [sflag:s28], $0x4800  }
0x306: {  	s26 =	sand.u32 $0x7800, s15;
	s15 =	sand.u32 $0x380, s15;
	[sflag:s28] =	ssyncset.done $0x0  }
0x307: {  	s15 =	sor.u32 s15, s26;
	[sflag:s28] =	ssyncadd.s32 $0xFFFFB800  }
0x308: {  	v10 =	vld [tilespmem:s15+$0x9800]  }
0x309: {  	v11 =	vld [tilespmem:s15+$0x9810]  }
0x30a: {  	v12 =	vld [tilespmem:s15+$0x9820]  }
0x30b: {  	v13 =	vld [tilespmem:s15+$0x9830]  }
0x30c: {  	v14 =	vld [tilespmem:s15+$0x9840]  }
0x30d: {  	v15 =	vld [tilespmem:s15+$0x9850]  }
0x30e: {  	v16 =	vld [tilespmem:s15+$0x9860]  }
0x30f: {  	v18 =	vld [tilespmem:s15+$0x9870]  }
0x310: {  	v19 =	vld [tilespmem:s15+$0x9C00]  }
0x311: {  	v9 =	vld [tilespmem:s15+$0x9C10]  }
0x312: {  	v8 =	vld [tilespmem:s15+$0x9C20]  }
0x313: {  	v7 =	vld [tilespmem:s15+$0x9C30]  }
0x314: {  	v6 =	vld [tilespmem:s15+$0x9C40]  }
0x315: {  	v5 =	vld [tilespmem:s15+$0x9C50]  }
0x316: {  	v4 =	vld [tilespmem:s15+$0x9C60]  }
0x317: {  	v3 =	vld [tilespmem:s15+$0x9C70]  }
0x318: {  	v17 =	vld [tilespmem:s15+$0x2800]  }
0x319: {  	v20 =	vld [tilespmem:s15+$0x2810]  }
0x31a: {  	v21 =	vld [tilespmem:s15+$0x2820]  }
0x31b: {  	v22 =	vld [tilespmem:s15+$0x2830]  }
0x31c: {  	v23 =	vld [tilespmem:s15+$0x2840]  }
0x31d: {  	v10 =	vadd.f32 v10, v17;
	v17 =	vld [tilespmem:s15+$0x2850]  }
0x31e: {  	v11 =	vadd.f32 v11, v20;
	v20 =	vld [tilespmem:s15+$0x2860]  }
0x31f: {  	v63 =	vld [tilespmem:s15+$0x2870];
	v12 =	vadd.f32 v12, v21;
	v10 =	vmul.f32 $5.000000000e-01, v10  }
0x320: {  	v24 =	vld [tilespmem:s15+$0x2C00];
	v22 =	vadd.f32 v13, v22;
	v11 =	vmul.f32 $5.000000000e-01, v11  }
0x321: {  	v14 =	vadd.f32 v14, v23;
	v13 =	vld [tilespmem:s15+$0x2C10];
	[tilespmem:s15+$0x2800] =	vst v10;
	v10 =	vmul.f32 $5.000000000e-01, v12  }
0x322: {  	[tilespmem:s15+$0x2810] =	vst v11;
	v11 =	vmul.f32 $5.000000000e-01, v22;
	v12 =	vld [tilespmem:s15+$0x2C20];
	v15 =	vadd.f32 v15, v17  }
0x323: {  	v14 =	vmul.f32 $5.000000000e-01, v14;
	v16 =	vadd.f32 v16, v20;
	[tilespmem:s15+$0x2820] =	vst v10;
	v10 =	vld [tilespmem:s15+$0x2C30]  }
0x324: {  	v18 =	vadd.f32 v18, v63;
	[tilespmem:s15+$0x2830] =	vst v11;
	v11 =	vld [tilespmem:s15+$0x2C40];
	v17 =	vmul.f32 $5.000000000e-01, v15  }
0x325: {  	s18 =	simm.s32 $0x80;
	s19 =	simm.s32 $0x100;
	[tilespmem:s15+$0x2840] =	vst v14;
	v14 =	vld [tilespmem:s15+$0x2C50];
	v15 =	vmul.f32 $5.000000000e-01, v16;
	v16 =	vadd.f32 v19, v24  }
.LBB2_10:
0x326: {  	s20 =	sand.u32 $0x7800, s19;
	s21 =	sand.u32 $0x380, s18;
	p1 =	sne.s32 s19, $0x4700;
	[tilespmem:s15+$0x2850] =	vst v17;
	v17 =	vmul.f32 $5.000000000e-01, v18;
	v9 =	vadd.f32 v9, v13;
	v13 =	vld [tilespmem:s15+$0x2C60]  }
0x327: {  	s20 =	sor.u32 s21, s20;
	[tilespmem:s15+$0x2860] =	vst v15;
	v15 =	vmul.f32 $5.000000000e-01, v16;
	v8 =	vadd.f32 v8, v12;
	v12 =	vld [tilespmem:s15+$0x2C70]  }
0x328: {  	v16 =	vld [tilespmem:s20+$0x9800];
	[tilespmem:s15+$0x2870] =	vst v17;
	v9 =	vmul.f32 $5.000000000e-01, v9;
	v7 =	vadd.f32 v7, v10  }
0x329: {  	v10 =	vld [tilespmem:s20+$0x9810];
	[tilespmem:s15+$0x2C00] =	vst v15;
	v8 =	vmul.f32 $5.000000000e-01, v8;
	v6 =	vadd.f32 v6, v11  }
0x32a: {  	v11 =	vld [tilespmem:s20+$0x9820];
	[tilespmem:s15+$0x2C10] =	vst v9;
	v7 =	vmul.f32 $5.000000000e-01, v7;
	v5 =	vadd.f32 v5, v14  }
0x32b: {  	v14 =	vld [tilespmem:s20+$0x9830];
	[tilespmem:s15+$0x2C20] =	vst v8;
	v6 =	vmul.f32 $5.000000000e-01, v6;
	v4 =	vadd.f32 v4, v13  }
0x32c: {  	v13 =	vld [tilespmem:s20+$0x9840];
	[tilespmem:s15+$0x2C30] =	vst v7;
	v5 =	vmul.f32 $5.000000000e-01, v5;
	v3 =	vadd.f32 v3, v12  }
0x32d: {  	v12 =	vld [tilespmem:s20+$0x9850];
	[tilespmem:s15+$0x2C40] =	vst v6;
	v4 =	vmul.f32 $5.000000000e-01, v4  }
0x32e: {  	v15 =	vld [tilespmem:s20+$0x9860];
	[tilespmem:s15+$0x2C50] =	vst v5;
	v3 =	vmul.f32 $5.000000000e-01, v3  }
0x32f: {  	v18 =	vld [tilespmem:s20+$0x9870];
	[tilespmem:s15+$0x2C60] =	vst v4  }
0x330: {  	v19 =	vld [tilespmem:s20+$0x9C00];
	[tilespmem:s15+$0x2C70] =	vst v3;
	s15 =	smov.u32 s20  }
0x331: {  	v9 =	vld [tilespmem:s15+$0x9C10]  }
0x332: {  	v8 =	vld [tilespmem:s15+$0x9C20]  }
0x333: {  	v7 =	vld [tilespmem:s15+$0x9C30]  }
0x334: {  	v6 =	vld [tilespmem:s15+$0x9C40]  }
0x335: {  	v5 =	vld [tilespmem:s15+$0x9C50]  }
0x336: {  	v4 =	vld [tilespmem:s15+$0x9C60]  }
0x337: {  	v3 =	vld [tilespmem:s15+$0x9C70]  }
0x338: {  	v17 =	vld [tilespmem:s15+$0x2800]  }
0x339: {  	v20 =	vld [tilespmem:s15+$0x2810]  }
0x33a: {  	v21 =	vld [tilespmem:s15+$0x2820]  }
0x33b: {  	v22 =	vld [tilespmem:s15+$0x2830]  }
0x33c: {  	v23 =	vld [tilespmem:s15+$0x2840]  }
0x33d: {  	v16 =	vadd.f32 v16, v17;
	v17 =	vld [tilespmem:s15+$0x2850]  }
0x33e: {  	v10 =	vadd.f32 v10, v20;
	v20 =	vld [tilespmem:s15+$0x2860]  }
0x33f: {  	v16 =	vmul.f32 $5.000000000e-01, v16;
	v11 =	vadd.f32 v11, v21;
	v21 =	vld [tilespmem:s15+$0x2870]  }
0x340: {  	v10 =	vmul.f32 $5.000000000e-01, v10;
	v14 =	vadd.f32 v14, v22;
	v22 =	vld [tilespmem:s15+$0x2C00]  }
.Ltmp4:
0x341: {  	[tilespmem:s15+$0x2800] =	vst v16;
	v11 =	vmul.f32 $5.000000000e-01, v11;
	v16 =	vadd.f32 v13, v23;
	v13 =	vld [tilespmem:s15+$0x2C10];
	(pc) =	sbr.rel @p1 .LBB2_10-.Ltmp4, $4  }
0x342: {  	[tilespmem:s15+$0x2810] =	vst v10;
	v14 =	vmul.f32 $5.000000000e-01, v14;
	v17 =	vadd.f32 v12, v17;
	v12 =	vld [tilespmem:s15+$0x2C20]  }
0x343: {  	[tilespmem:s15+$0x2820] =	vst v11;
	v16 =	vmul.f32 $5.000000000e-01, v16;
	v15 =	vadd.f32 v15, v20;
	v10 =	vld [tilespmem:s15+$0x2C30]  }
0x344: {  	[tilespmem:s15+$0x2830] =	vst v14;
	v17 =	vmul.f32 $5.000000000e-01, v17;
	v18 =	vadd.f32 v18, v21;
	v11 =	vld [tilespmem:s15+$0x2C40]  }
0x345: {  	s18 =	sadd.s32 $0x80, s18;
	s19 =	sadd.s32 $0x100, s19;
	[tilespmem:s15+$0x2840] =	vst v16;
	v15 =	vmul.f32 $5.000000000e-01, v15;
	v16 =	vadd.f32 v19, v22;
	v14 =	vld [tilespmem:s15+$0x2C50]  }
0x346: {  	[tilespmem:s15+$0x2850] =	vst v17;
	v60 =	vmul.f32 $5.000000000e-01, v18;
	v9 =	vadd.f32 v9, v13;
	v61 =	vld [tilespmem:s15+$0x2C60]  }
0x347: {  	v63 =	vld [tilespmem:s15+$0x2C70];
	[tilespmem:s15+$0x2860] =	vst v15;
	v62 =	vmul.f32 $5.000000000e-01, v16;
	v8 =	vadd.f32 v8, v12  }
0x348: {  	[tilespmem:s15+$0x2870] =	vst v60;
	v9 =	vmul.f32 $5.000000000e-01, v9;
	v7 =	vadd.f32 v7, v10  }
0x349: {  	[tilespmem:s15+$0x2C00] =	vst v62;
	v8 =	vmul.f32 $5.000000000e-01, v8;
	v6 =	vadd.f32 v6, v11  }
0x34a: {  	[tilespmem:s15+$0x2C10] =	vst v9;
	v7 =	vmul.f32 $5.000000000e-01, v7;
	v5 =	vadd.f32 v5, v14  }
0x34b: {  	[tilespmem:s15+$0x2C20] =	vst v8;
	v6 =	vmul.f32 $5.000000000e-01, v6;
	v4 =	vadd.f32 v4, v61  }
0x34c: {  	v3 =	vadd.f32 v3, v63;
	[tilespmem:s15+$0x2C30] =	vst v7;
	v5 =	vmul.f32 $5.000000000e-01, v5  }
0x34d: {  	[tilespmem:s15+$0x2C40] =	vst v6;
	v4 =	vmul.f32 $5.000000000e-01, v4  }
0x34e: {  	v3 =	vmul.f32 $5.000000000e-01, v3;
	[tilespmem:s15+$0x2C50] =	vst v5  }
0x34f: {  	[tilespmem:s15+$0x2C60] =	vst v4  }
0x350: {  	s20 =	rddreg [dreg:$0x9];
	s22 =	simm.s32 $0x6;
	s18 =	simm.s32 @!p0 $0x1;
	[tilespmem:s15+$0x2C70] =	vst v3  }
0x351: {  	[hbm4b:s20+s4] =	stream.linear.scatter [tilespmem:s17], [sflag:$0x6], $0x4800, $0x38;
	[tilespmem:$0x1E800] =	vst v63  }
0x352: {  	s19 =	simm.s32 @!p0 $0x80;
	s15 =	stileid.u32;
	_ =	swait.ge [sflag:s22], $0x4800  }
0x353: {  	s15 =	sshll.u32 @!p0 s15, $0x6;
	[sflag:s22] =	ssyncset.done $0x0;
	s20 =	rddreg [dreg:$0xa]  }
0x354: {  	s15 =	sor.u32 @!p0 $0x1C06, s15;
	s21 =	rddreg [dreg:$0xb];
	[sflag:s22] =	ssyncadd.s32 $0xFFFFB800  }
0x355: {  	[hbm:s21@s19], [sflag:s15] =	dma.strided @!p0 [hbm:s20@s19], $0x20, s18, $0x10   }
0x356: {  	s15 =	simm.s32 @!p0 $0x6  }
0x357: {  	_ =	swait.ge @!p0 [sflag:s15], $0x20  }
0x358: {  	[sflag:s15] =	ssyncset.done @!p0 $0x0  }
0x359: {  	s21 =	simm.s32 $0x5;
	[sflag:s15] =	ssyncadd.s32 @!p0 $0xFFFFFFE0  }
0x35a: {  	_ =	swait.ge [sflag:s21], $0x2700  }
0x35b: {  	s23 =	rddreg [dreg:$0xd]  }
0x35c: {  	s26 =	rddreg [dreg:$0xc];
	s19 =	sadd.s32 $0x1, s23  }
0x35d: {  	p1 =	sne.s32 s19, s26  }
.Ltmp5:
0x35e: {  	_ = 	snop;
	(pc) =	sbr.rel @p1 .LBB2_1-.Ltmp5, $3  }
0x35f: {  	_ =	sdelay $0x1  }
0x360: {  	[sflag:s21] =	ssyncset.done $0x0  }
0x361: {  	[sflag:s21] =	ssyncadd.s32 $0xFFFFD900  }
0x362: {  	_ =	sfence.sel $0x180000  }
0x363: {  	[bflag:$0x0] =	sbarrier.arrive $0xFFFF  }
0x364: {  	_ =	strace $0x90000047  }
0x365: {  	s0 =	stileid.u32;
	[bflag:$0x2] =	sbarrier.arrive $0xFFFF  }
0x366: {  	p0 =	sne.s32 s0, $0x0;
	s0 =	rddreg [dreg:$0x3]  }
0x367: {  	s0 =	sadd.s32 @!p0 $0x100000, s0  }
0x368: {  	[sflag:s0] =	ssyncadd.tile.s32 @!p0 $0x1;
	_ =	shalt  }
.Lfunc_end2:
_tile_overlayer_lowered:
.L_overlay_start_2:
0x369: {  	(tag) =	ssettag $0x2  }
0x36a: {  	s0 =	rddreg [dreg:$0x0];
	s2 =	stileid.u32  }
0x36b: {  	s1 =	rddreg [dreg:$0x1];
	p0 =	sne.s32 s2, $0x0  }
0x36c: {  	s3 =	rddreg [dreg:$0x2];
	[bflag:$0x3] =	sbarrier.arrive $0xFFFF;
	s2 =	simm.s32 @!p0 $0x1C06  }
0x36d: {  	[timem:s3], [sflag:s2] =	dma.local @!p0 [hbm:s0], s1  }
0x36e: {  	s0 =	simm.s32 @!p0 $0x6  }
0x36f: {  	_ =	swait.ge @!p0 [sflag:s0], s1  }
0x370: {  	s1 =	ssub.s32 @!p0 $0x0, s1;
	[sflag:s0] =	ssyncset.done @!p0 $0x0  }
0x371: {  	[sflag:s0] =	ssyncadd.s32 @!p0 s1  }
0x372: {  	[bflag:$0x3] =	sbarrier.arrive $0xFFFF  }
0x373: {  	_ =	shalt  }

</sc_bundles>
